<compile_context>
chip_gen: v7x
topology: tpu7x:2x2x1
jax: 0.10.2.dev20260603
libtpu: 0.0.44.dev20260713+nightly
codegen_flags: <defaults>
</compile_context>

<pallas_src>
import functools

import jax
import jax.numpy as jnp
from jax import lax
from jax.experimental import pallas as pl
from jax.experimental.pallas import tpu as pltpu
from jax.experimental.pallas import tpu_sc as plsc

B = 128
V = 196
D = 768
TV = 24
NSTEPS = 9
VP = NSTEPS * TV

NEG_INF = float("-inf")


def _sim_kernel(l_ref, vis_ref, loss_ref, idx_ref, m0_ref, m1_ref, vsum_ref):
    i = pl.program_id(0)
    lmat = l_ref[...]

    @pl.when(i == 0)
    def _():
        m0_ref[...] = jnp.full((B, B), NEG_INF, jnp.float32)
        m1_ref[...] = jnp.full((B, B), NEG_INF, jnp.float32)

    vsum_ref[pl.ds(i * TV, TV), :] = jnp.sum(vis_ref[...], axis=1)

    m0 = m0_ref[...]
    m1 = m1_ref[...]
    for j in range(TV):
        s = jax.lax.dot_general(
            vis_ref[j], lmat, (((1,), (1,)), ((), ())),
            preferred_element_type=jnp.float32)
        s = jnp.where(i * TV + j < V, s, NEG_INF)
        hi = jnp.maximum(m0, s)
        lo = jnp.minimum(m0, s)
        m0 = hi
        m1 = jnp.maximum(m1, lo)
    m0_ref[...] = m0
    m1_ref[...] = m1

    @pl.when(i == NSTEPS - 1)
    def _():
        anchor = jax.lax.dot_general(
            vsum_ref[...], lmat, (((1,), (1,)), ((), ())),
            preferred_element_type=jnp.float32)
        iota_v = jax.lax.broadcasted_iota(jnp.int32, (VP, B), 0)
        anchor = jnp.where(iota_v < V, anchor, NEG_INF)
        colmax = jnp.max(anchor, axis=0, keepdims=True)
        idx = jnp.min(
            jnp.where(anchor == colmax, iota_v, V), axis=0, keepdims=True)
        iota_b = jax.lax.broadcasted_iota(jnp.int32, (1, B), 1)
        idx_ref[...] = idx * B + iota_b

        m0m = m0_ref[...]
        m1m = m1_ref[...]
        mcol = jnp.maximum(jnp.max(m0m, axis=0, keepdims=True),
                           jnp.max(m1m, axis=0, keepdims=True))
        e0 = jnp.exp(m0m - mcol)
        e1 = jnp.exp(m1m - mcol)
        lanes = jax.lax.broadcasted_iota(jnp.int32, (B, B), 1)
        rows = jax.lax.broadcasted_iota(jnp.int32, (B, B), 0)
        diag = lanes == rows
        z = (jnp.sum(e0, axis=0) + jnp.sum(e1, axis=0)
             - jnp.sum(jnp.where(diag, e1, 0.0), axis=0))
        logz = jnp.log(z) + mcol[0]
        diag0 = jnp.sum(jnp.where(diag, m0m, 0.0), axis=0)
        loss_ref[...] = (jnp.sum(logz - diag0) * (1.0 / B)).reshape(1, 1)


NW_USED = 16
BPW = B // NW_USED


def _sc_gather(idx_hbm, vis_hbm, out_hbm, idx_v, rows_v, sem):
    wid = lax.axis_index("s") * 2 + lax.axis_index("c")

    @pl.when(wid < NW_USED)
    def _():
        base = wid * BPW
        pltpu.sync_copy(idx_hbm.at[pl.ds(base, BPW)], idx_v)
        pltpu.async_copy(vis_hbm.at[idx_v], rows_v, sem).wait()
        pltpu.sync_copy(rows_v, out_hbm.at[pl.ds(base, BPW)])


@jax.jit
def kernel(fusion_fs, lan_fs):
    vis_t = jnp.transpose(fusion_fs, (1, 0, 2))
    lmat = lan_fs.reshape(B, D)

    loss2d, idx2d = pl.pallas_call(
        _sim_kernel,
        grid=(NSTEPS,),
        in_specs=[
            pl.BlockSpec((B, D), lambda i: (0, 0)),
            pl.BlockSpec((TV, B, D), lambda i: (i, 0, 0)),
        ],
        out_specs=[
            pl.BlockSpec((1, 1), lambda i: (0, 0)),
            pl.BlockSpec((1, B), lambda i: (0, 0)),
        ],
        out_shape=[
            jax.ShapeDtypeStruct((1, 1), jnp.float32),
            jax.ShapeDtypeStruct((1, B), jnp.int32),
        ],
        scratch_shapes=[
            pltpu.VMEM((B, B), jnp.float32),
            pltpu.VMEM((B, B), jnp.float32),
            pltpu.VMEM((VP, D), jnp.float32),
        ],
    )(lmat, vis_t)

    vis_flat = vis_t.reshape(V * B, D)
    gather = functools.partial(
        pl.kernel,
        mesh=plsc.VectorSubcoreMesh(core_axis_name="c", subcore_axis_name="s"),
        out_type=jax.ShapeDtypeStruct((B, D), jnp.float32),
        scratch_types=[
            pltpu.VMEM((BPW,), jnp.int32),
            pltpu.VMEM((BPW, D), jnp.float32),
            pltpu.SemaphoreType.DMA,
        ],
    )(_sc_gather)
    emb = gather(idx2d[0], vis_flat)

    return loss2d[0, 0], emb.reshape(B, 1, D)

# --- scband reference (transcript-rebuilt; emitter-appended) ---
"""Pipeline reference for scband-weak-rechead-5128190952057 (READ-ONLY COPY).

The authoritative reference and input builder live on the scoring server;
editing this copy changes nothing except your own understanding.
"""

import jax, jax.numpy as jnp
import numpy as np


def setup_inputs(seed: int = 0) -> dict:
    key = jax.random.key(seed)
    k1, k2 = jax.random.split(key)
    fusion_fs = jax.random.normal(k1, (128, 196, 768), dtype=jnp.float32)
    lan_fs = jax.random.normal(k2, (128, 1, 768), dtype=jnp.float32)
    return {"fusion_fs": fusion_fs, "lan_fs": lan_fs}


def reference(fusion_fs, lan_fs):
    # Training branch: getContrast(vis_emb=fusion_fs, lan_emb=lan_fs)
    vis, lan = fusion_fs, lan_fs
    B = vis.shape[0]
    D = vis.shape[-1]
    # sim_map_vis: [b_lan, a_vis, q, v]
    sim_map = jnp.einsum('avd,bqd->baqv', vis, lan)
    # select_anchor: note 'a' is summed out (faithful to torch.einsum string)
    select_anchor = jnp.einsum('avd,bqd->bqv', vis, lan)
    max_sims, _ = jax.lax.top_k(sim_map, 2)               # [B, B, 1, 2]
    _, top_index = jax.lax.top_k(select_anchor, 1)        # [B, 1, 1]
    gather_idx = jnp.broadcast_to(top_index, (B, 1, D))
    max_sim_vis_emb = jnp.take_along_axis(vis, gather_idx, axis=1)  # [B, 1, D]
    max_sims = jnp.squeeze(max_sims, axis=2)              # [B, B, 2]
    max_sim_0 = max_sims[..., 0]                          # [B, B]
    max_sim_1 = max_sims[..., 1]                          # [B, B]
    # masked_select of off-diagonal entries, row-major -> [B, B-1]
    cols = np.tile(np.arange(B), (B, 1))
    mask = cols != np.arange(B)[:, None]
    offdiag = cols[mask].reshape(B, B - 1)
    max_sim_1 = jnp.take_along_axis(max_sim_1, jnp.asarray(offdiag), axis=1)
    new_logits = jnp.concatenate([max_sim_0, max_sim_1], axis=1)  # [B, 2B-1]
    target = jnp.eye(B)
    target_pred = jnp.argmax(target, axis=1)
    logZ = jax.scipy.special.logsumexp(new_logits, axis=1)
    loss = jnp.mean(logZ - new_logits[jnp.arange(B), target_pred])
    return (loss, max_sim_vis_emb)

if __name__ == "__main__":
    import jax
    _d = setup_inputs()
    print(jax.jit(kernel)(*tuple(_d.values())))

</pallas_src>

<mosaic_0001>
#map = affine_map<(d0, d1) -> (0)>
#map1 = affine_map<(d0, d1) -> (0, 0)>
module attributes {stable_mosaic.version = 14 : i64} {
  func.func @_sc_gather(%arg0: i32, %arg1: i32, %arg2: memref<128xi32, #tpu.memory_space<hbm>>, %arg3: memref<25088x768xf32, #tpu.memory_space<hbm>>, %arg4: memref<128x768xf32, #tpu.memory_space<hbm>>, %arg5: memref<8xi32, #tpu.memory_space<vmem>>, %arg6: memref<8x768xf32, #tpu.memory_space<vmem>>, %arg7: memref<!tpu.dma_semaphore, #tpu.memory_space<semaphore_mem>>) attributes {dimension_semantics = [#tpu.dimension_semantics<core_parallel>, #tpu.dimension_semantics<subcore_parallel>], iteration_bounds = array<i64: 2, 16>, scalar_prefetch = 0 : i64, scratch_operands = 3 : i64, tpu.core_type = #tpu.core_type<sc_vector_subcore>, window_params = [{transform_indices = #map}, {transform_indices = #map1}, {transform_indices = #map1}]} {
    %mul3A = arith.constant 2 : i32
    %mul3A_0 = arith.muli %arg1, %mul3A : i32
    %add3A = arith.addi %mul3A_0, %arg0 : i32
    %lt3A = arith.constant 16 : i32
    %lt3A_1 = arith.cmpi slt, %add3A, %lt3A : i32
    %convert_element_type3A = arith.extui %lt3A_1 : i1 to i32
    %cond3A = arith.constant 0 : i32
    %cond3A_2 = arith.cmpi ne, %convert_element_type3A, %cond3A : i32
    scf.if %cond3A_2 {
      %mul3A_3 = arith.constant 8 : i32
      %mul3A_4 = arith.muli %add3A, %mul3A_3 : i32
      "tpu.region"() ({
        %run_scoped3A = tpu.sem_alloc : memref<!tpu.dma_semaphore, #tpu.memory_space<semaphore_mem>>
        %dma_start3A_9 = tpu.memref_slice %arg2[%mul3A_4] : memref<128xi32, #tpu.memory_space<hbm>> -> memref<8xi32, #tpu.memory_space<hbm>>
        %dma_start3A_10 = tpu.memref_slice %arg2[%mul3A_4] : memref<128xi32, #tpu.memory_space<hbm>> -> memref<8xi32, #tpu.memory_space<hbm>>
        tpu.enqueue_dma source(%dma_start3A_10 : memref<8xi32, #tpu.memory_space<hbm>>) target(%arg5 : memref<8xi32, #tpu.memory_space<vmem>>) target_semaphore(%run_scoped3A : memref<!tpu.dma_semaphore, #tpu.memory_space<semaphore_mem>>)
        %dma_wait3A_11 = tpu.memref_slice %arg2[%mul3A_4] : memref<128xi32, #tpu.memory_space<hbm>> -> memref<8xi32, #tpu.memory_space<hbm>>
        %dma_wait3A_12 = tpu.memref_slice %arg2[%mul3A_4] : memref<128xi32, #tpu.memory_space<hbm>> -> memref<8xi32, #tpu.memory_space<hbm>>
        tpu.wait_dma2 semaphore(%run_scoped3A : memref<!tpu.dma_semaphore, #tpu.memory_space<semaphore_mem>>) src(%dma_wait3A_12 : memref<8xi32, #tpu.memory_space<hbm>>) dst(%arg5 : memref<8xi32, #tpu.memory_space<vmem>>)
        tpu.yield
      }) : () -> ()
      %dma_start3A = arith.constant 0 : i32
      %dma_start3A_5 = arith.constant 0 : i32
      %dma_start3A_6 = tpu.memref_slice %arg3[%dma_start3A, %dma_start3A_5] : memref<25088x768xf32, #tpu.memory_space<hbm>> -> memref<25088x768xf32, #tpu.memory_space<hbm>>
      tpu.enqueue_indirect_dma source(%dma_start3A_6 : memref<25088x768xf32, #tpu.memory_space<hbm>>) target(%arg6 : memref<8x768xf32, #tpu.memory_space<vmem>>) offsets(%arg5 : memref<8xi32, #tpu.memory_space<vmem>>) semaphore(%arg7 : memref<!tpu.dma_semaphore, #tpu.memory_space<semaphore_mem>>)
      %dma_wait3A = arith.constant 0 : i32
      %dma_wait3A_7 = arith.constant 0 : i32
      %dma_wait3A_8 = tpu.memref_slice %arg3[%dma_wait3A, %dma_wait3A_7] : memref<25088x768xf32, #tpu.memory_space<hbm>> -> memref<25088x768xf32, #tpu.memory_space<hbm>>
      tpu.wait_indirect_dma semaphore(%arg7 : memref<!tpu.dma_semaphore, #tpu.memory_space<semaphore_mem>>) src(%dma_wait3A_8 : memref<25088x768xf32, #tpu.memory_space<hbm>>) dst(%arg6 : memref<8x768xf32, #tpu.memory_space<vmem>>)
      "tpu.region"() ({
        %run_scoped3A = tpu.sem_alloc : memref<!tpu.dma_semaphore, #tpu.memory_space<semaphore_mem>>
        %dma_start3A_9 = arith.constant 0 : i32
        %dma_start3A_10 = tpu.memref_slice %arg4[%mul3A_4, %dma_start3A_9] : memref<128x768xf32, #tpu.memory_space<hbm>> -> memref<8x768xf32, #tpu.memory_space<hbm>>
        %dma_start3A_11 = arith.constant 0 : i32
        %dma_start3A_12 = tpu.memref_slice %arg4[%mul3A_4, %dma_start3A_11] : memref<128x768xf32, #tpu.memory_space<hbm>> -> memref<8x768xf32, #tpu.memory_space<hbm>>
        tpu.enqueue_dma source(%arg6 : memref<8x768xf32, #tpu.memory_space<vmem>>) target(%dma_start3A_12 : memref<8x768xf32, #tpu.memory_space<hbm>>) target_semaphore(%run_scoped3A : memref<!tpu.dma_semaphore, #tpu.memory_space<semaphore_mem>>)
        %dma_wait3A_13 = arith.constant 0 : i32
        %dma_wait3A_14 = tpu.memref_slice %arg4[%mul3A_4, %dma_wait3A_13] : memref<128x768xf32, #tpu.memory_space<hbm>> -> memref<8x768xf32, #tpu.memory_space<hbm>>
        %dma_wait3A_15 = arith.constant 0 : i32
        %dma_wait3A_16 = tpu.memref_slice %arg4[%mul3A_4, %dma_wait3A_15] : memref<128x768xf32, #tpu.memory_space<hbm>> -> memref<8x768xf32, #tpu.memory_space<hbm>>
        tpu.wait_dma2 semaphore(%run_scoped3A : memref<!tpu.dma_semaphore, #tpu.memory_space<semaphore_mem>>) src(%arg6 : memref<8x768xf32, #tpu.memory_space<vmem>>) dst(%dma_wait3A_16 : memref<8x768xf32, #tpu.memory_space<hbm>>)
        tpu.yield
      }) : () -> ()
    } else {
    }
    return
  }
}

module attributes {stable_mosaic.version = 14 : i64} {
  func.func @_sim_kernel(%arg0: i32, %arg1: memref<128x768xf32, #tpu.memory_space<vmem>>, %arg2: memref<24x128x768xf32, #tpu.memory_space<vmem>>, %arg3: memref<1x1xf32, #tpu.memory_space<vmem>>, %arg4: memref<1x128xi32, #tpu.memory_space<vmem>>, %arg5: memref<128x128xf32, #tpu.memory_space<vmem>>, %arg6: memref<128x128xf32, #tpu.memory_space<vmem>>, %arg7: memref<216x768xf32, #tpu.memory_space<vmem>>) attributes {dimension_semantics = [#tpu.dimension_semantics<arbitrary>], iteration_bounds = array<i64: 9>, scalar_prefetch = 0 : i64, scratch_operands = 3 : i64, tpu.core_type = #tpu.core_type<tc>, window_params = [{pipeline_mode = #tpu.pipeline_mode<synchronous>, transform_indices = @transform_0, window_bounds = array<i64: 128, 768>}, {transform_indices = @transform_1, window_bounds = array<i64: 24, 128, 768>}, {pipeline_mode = #tpu.pipeline_mode<synchronous>, transform_indices = @transform_2, window_bounds = array<i64: 1, 1>}, {pipeline_mode = #tpu.pipeline_mode<synchronous>, transform_indices = @transform_3, window_bounds = array<i64: 1, 128>}]} {
    %get3A = arith.constant 0 : index
    %get3A_0 = arith.constant 0 : index
    %get3A_1 = vector.load %arg1[%get3A, %get3A_0] : memref<128x768xf32, #tpu.memory_space<vmem>>, vector<128x768xf32>
    %eq3A = arith.constant 0 : i32
    %eq3A_2 = arith.cmpi eq, %arg0, %eq3A : i32
    %convert_element_type3A = arith.extui %eq3A_2 : i1 to i32
    %cond3A = arith.constant 0 : i32
    %cond3A_3 = arith.cmpi ne, %convert_element_type3A, %cond3A : i32
    scf.if %cond3A_3 {
      %broadcast_in_dim3A_477 = arith.constant 0xFF800000 : f32
      %broadcast_in_dim3A_478 = vector.broadcast %broadcast_in_dim3A_477 : f32 to vector<128x128xf32>
      %swap3A_479 = arith.constant 0 : index
      %swap3A_480 = arith.constant 0 : index
      %swap3A_481 = vector.load %arg5[%swap3A_479, %swap3A_480] : memref<128x128xf32, #tpu.memory_space<vmem>>, vector<128x128xf32>
      tpu.vector_store %arg5[%swap3A_479, %swap3A_480], %broadcast_in_dim3A_478 {strides = array<i32>} : memref<128x128xf32, #tpu.memory_space<vmem>>, vector<128x128xf32>,
      %broadcast_in_dim3A_482 = arith.constant 0xFF800000 : f32
      %broadcast_in_dim3A_483 = vector.broadcast %broadcast_in_dim3A_482 : f32 to vector<128x128xf32>
      %swap3A_484 = arith.constant 0 : index
      %swap3A_485 = arith.constant 0 : index
      %swap3A_486 = vector.load %arg6[%swap3A_484, %swap3A_485] : memref<128x128xf32, #tpu.memory_space<vmem>>, vector<128x128xf32>
      tpu.vector_store %arg6[%swap3A_484, %swap3A_485], %broadcast_in_dim3A_483 {strides = array<i32>} : memref<128x128xf32, #tpu.memory_space<vmem>>, vector<128x128xf32>,
    } else {
    }
    %get3A_4 = arith.constant 0 : index
    %get3A_5 = arith.constant 0 : index
    %get3A_6 = arith.constant 0 : index
    %get3A_7 = vector.load %arg2[%get3A_4, %get3A_5, %get3A_6] : memref<24x128x768xf32, #tpu.memory_space<vmem>>, vector<24x128x768xf32>
    %reduce_sum3A = arith.constant dense<0.000000e+00> : vector<24x768xf32>
    %reduce_sum3A_8 = vector.multi_reduction <add>, %get3A_7, %reduce_sum3A [1] : vector<24x128x768xf32> to vector<24x768xf32>
    %mul3A = arith.constant 24 : i32
    %mul3A_9 = arith.muli %arg0, %mul3A : i32
    %swap3A = arith.index_cast %mul3A_9 : i32 to index
    %swap3A_10 = arith.constant 0 : index
    %swap3A_11 = vector.load %arg7[%swap3A, %swap3A_10] : memref<216x768xf32, #tpu.memory_space<vmem>>, vector<24x768xf32>
    tpu.vector_store %arg7[%swap3A, %swap3A_10], %reduce_sum3A_8 {strides = array<i32>} : memref<216x768xf32, #tpu.memory_space<vmem>>, vector<24x768xf32>,
    %get3A_12 = arith.constant 0 : index
    %get3A_13 = arith.constant 0 : index
    %get3A_14 = vector.load %arg5[%get3A_12, %get3A_13] : memref<128x128xf32, #tpu.memory_space<vmem>>, vector<128x128xf32>
    %get3A_15 = arith.constant 0 : index
    %get3A_16 = arith.constant 0 : index
    %get3A_17 = vector.load %arg6[%get3A_15, %get3A_16] : memref<128x128xf32, #tpu.memory_space<vmem>>, vector<128x128xf32>
    %get3A_18 = arith.constant 0 : index
    %get3A_19 = arith.constant 0 : index
    %get3A_20 = arith.constant 0 : index
    %get3A_21 = vector.load %arg2[%get3A_18, %get3A_19, %get3A_20] : memref<24x128x768xf32, #tpu.memory_space<vmem>>, vector<1x128x768xf32>
    %get3A_22 = vector.shape_cast %get3A_21 : vector<1x128x768xf32> to vector<128x768xf32>
    %dot_general3A = arith.constant dense<0.000000e+00> : vector<128x128xf32>
    %dot_general3A_23 = tpu.matmul %get3A_22, %get3A_1, %dot_general3A {dimension_numbers = #tpu.dot_dimension_numbers<[1], [1], [0], [0], [0, 0, 1, 0], [], []>, transpose_lhs_hint = false} : vector<128x768xf32>, vector<128x768xf32>, vector<128x128xf32> -> vector<128x128xf32>
    %mul3A_24 = arith.constant 24 : i32
    %mul3A_25 = arith.muli %arg0, %mul3A_24 : i32
    %add3A = arith.constant 0 : i32
    %add3A_26 = arith.addi %mul3A_25, %add3A : i32
    %lt3A = arith.constant 196 : i32
    %lt3A_27 = arith.cmpi slt, %add3A_26, %lt3A : i32
    %jit3A = arith.constant 0xFF800000 : f32
    %broadcast_in_dim3A = vector.broadcast %jit3A : f32 to vector<128x128xf32>
    %select_n3A = arith.select %lt3A_27, %dot_general3A_23, %broadcast_in_dim3A : vector<128x128xf32>
    %max3A = arith.maximumf %get3A_14, %select_n3A : vector<128x128xf32>
    %min3A = arith.minimumf %get3A_14, %select_n3A : vector<128x128xf32>
    %max3A_28 = arith.maximumf %get3A_17, %min3A : vector<128x128xf32>
    %get3A_29 = arith.constant 1 : index
    %get3A_30 = arith.constant 0 : index
    %get3A_31 = arith.constant 0 : index
    %get3A_32 = vector.load %arg2[%get3A_29, %get3A_30, %get3A_31] : memref<24x128x768xf32, #tpu.memory_space<vmem>>, vector<1x128x768xf32>
    %get3A_33 = vector.shape_cast %get3A_32 : vector<1x128x768xf32> to vector<128x768xf32>
    %dot_general3A_34 = arith.constant dense<0.000000e+00> : vector<128x128xf32>
    %dot_general3A_35 = tpu.matmul %get3A_33, %get3A_1, %dot_general3A_34 {dimension_numbers = #tpu.dot_dimension_numbers<[1], [1], [0], [0], [0, 0, 1, 0], [], []>, transpose_lhs_hint = false} : vector<128x768xf32>, vector<128x768xf32>, vector<128x128xf32> -> vector<128x128xf32>
    %mul3A_36 = arith.constant 24 : i32
    %mul3A_37 = arith.muli %arg0, %mul3A_36 : i32
    %add3A_38 = arith.constant 1 : i32
    %add3A_39 = arith.addi %mul3A_37, %add3A_38 : i32
    %lt3A_40 = arith.constant 196 : i32
    %lt3A_41 = arith.cmpi slt, %add3A_39, %lt3A_40 : i32
    %jit3A_42 = arith.constant 0xFF800000 : f32
    %broadcast_in_dim3A_43 = vector.broadcast %jit3A_42 : f32 to vector<128x128xf32>
    %select_n3A_44 = arith.select %lt3A_41, %dot_general3A_35, %broadcast_in_dim3A_43 : vector<128x128xf32>
    %max3A_45 = arith.maximumf %max3A, %select_n3A_44 : vector<128x128xf32>
    %min3A_46 = arith.minimumf %max3A, %select_n3A_44 : vector<128x128xf32>
    %max3A_47 = arith.maximumf %max3A_28, %min3A_46 : vector<128x128xf32>
    %get3A_48 = arith.constant 2 : index
    %get3A_49 = arith.constant 0 : index
    %get3A_50 = arith.constant 0 : index
    %get3A_51 = vector.load %arg2[%get3A_48, %get3A_49, %get3A_50] : memref<24x128x768xf32, #tpu.memory_space<vmem>>, vector<1x128x768xf32>
    %get3A_52 = vector.shape_cast %get3A_51 : vector<1x128x768xf32> to vector<128x768xf32>
    %dot_general3A_53 = arith.constant dense<0.000000e+00> : vector<128x128xf32>
    %dot_general3A_54 = tpu.matmul %get3A_52, %get3A_1, %dot_general3A_53 {dimension_numbers = #tpu.dot_dimension_numbers<[1], [1], [0], [0], [0, 0, 1, 0], [], []>, transpose_lhs_hint = false} : vector<128x768xf32>, vector<128x768xf32>, vector<128x128xf32> -> vector<128x128xf32>
    %mul3A_55 = arith.constant 24 : i32
    %mul3A_56 = arith.muli %arg0, %mul3A_55 : i32
    %add3A_57 = arith.constant 2 : i32
    %add3A_58 = arith.addi %mul3A_56, %add3A_57 : i32
    %lt3A_59 = arith.constant 196 : i32
    %lt3A_60 = arith.cmpi slt, %add3A_58, %lt3A_59 : i32
    %jit3A_61 = arith.constant 0xFF800000 : f32
    %broadcast_in_dim3A_62 = vector.broadcast %jit3A_61 : f32 to vector<128x128xf32>
    %select_n3A_63 = arith.select %lt3A_60, %dot_general3A_54, %broadcast_in_dim3A_62 : vector<128x128xf32>
    %max3A_64 = arith.maximumf %max3A_45, %select_n3A_63 : vector<128x128xf32>
    %min3A_65 = arith.minimumf %max3A_45, %select_n3A_63 : vector<128x128xf32>
    %max3A_66 = arith.maximumf %max3A_47, %min3A_65 : vector<128x128xf32>
    %get3A_67 = arith.constant 3 : index
    %get3A_68 = arith.constant 0 : index
    %get3A_69 = arith.constant 0 : index
    %get3A_70 = vector.load %arg2[%get3A_67, %get3A_68, %get3A_69] : memref<24x128x768xf32, #tpu.memory_space<vmem>>, vector<1x128x768xf32>
    %get3A_71 = vector.shape_cast %get3A_70 : vector<1x128x768xf32> to vector<128x768xf32>
    %dot_general3A_72 = arith.constant dense<0.000000e+00> : vector<128x128xf32>
    %dot_general3A_73 = tpu.matmul %get3A_71, %get3A_1, %dot_general3A_72 {dimension_numbers = #tpu.dot_dimension_numbers<[1], [1], [0], [0], [0, 0, 1, 0], [], []>, transpose_lhs_hint = false} : vector<128x768xf32>, vector<128x768xf32>, vector<128x128xf32> -> vector<128x128xf32>
    %mul3A_74 = arith.constant 24 : i32
    %mul3A_75 = arith.muli %arg0, %mul3A_74 : i32
    %add3A_76 = arith.constant 3 : i32
    %add3A_77 = arith.addi %mul3A_75, %add3A_76 : i32
    %lt3A_78 = arith.constant 196 : i32
    %lt3A_79 = arith.cmpi slt, %add3A_77, %lt3A_78 : i32
    %jit3A_80 = arith.constant 0xFF800000 : f32
    %broadcast_in_dim3A_81 = vector.broadcast %jit3A_80 : f32 to vector<128x128xf32>
    %select_n3A_82 = arith.select %lt3A_79, %dot_general3A_73, %broadcast_in_dim3A_81 : vector<128x128xf32>
    %max3A_83 = arith.maximumf %max3A_64, %select_n3A_82 : vector<128x128xf32>
    %min3A_84 = arith.minimumf %max3A_64, %select_n3A_82 : vector<128x128xf32>
    %max3A_85 = arith.maximumf %max3A_66, %min3A_84 : vector<128x128xf32>
    %get3A_86 = arith.constant 4 : index
    %get3A_87 = arith.constant 0 : index
    %get3A_88 = arith.constant 0 : index
    %get3A_89 = vector.load %arg2[%get3A_86, %get3A_87, %get3A_88] : memref<24x128x768xf32, #tpu.memory_space<vmem>>, vector<1x128x768xf32>
    %get3A_90 = vector.shape_cast %get3A_89 : vector<1x128x768xf32> to vector<128x768xf32>
    %dot_general3A_91 = arith.constant dense<0.000000e+00> : vector<128x128xf32>
    %dot_general3A_92 = tpu.matmul %get3A_90, %get3A_1, %dot_general3A_91 {dimension_numbers = #tpu.dot_dimension_numbers<[1], [1], [0], [0], [0, 0, 1, 0], [], []>, transpose_lhs_hint = false} : vector<128x768xf32>, vector<128x768xf32>, vector<128x128xf32> -> vector<128x128xf32>
    %mul3A_93 = arith.constant 24 : i32
    %mul3A_94 = arith.muli %arg0, %mul3A_93 : i32
    %add3A_95 = arith.constant 4 : i32
    %add3A_96 = arith.addi %mul3A_94, %add3A_95 : i32
    %lt3A_97 = arith.constant 196 : i32
    %lt3A_98 = arith.cmpi slt, %add3A_96, %lt3A_97 : i32
    %jit3A_99 = arith.constant 0xFF800000 : f32
    %broadcast_in_dim3A_100 = vector.broadcast %jit3A_99 : f32 to vector<128x128xf32>
    %select_n3A_101 = arith.select %lt3A_98, %dot_general3A_92, %broadcast_in_dim3A_100 : vector<128x128xf32>
    %max3A_102 = arith.maximumf %max3A_83, %select_n3A_101 : vector<128x128xf32>
    %min3A_103 = arith.minimumf %max3A_83, %select_n3A_101 : vector<128x128xf32>
    %max3A_104 = arith.maximumf %max3A_85, %min3A_103 : vector<128x128xf32>
    %get3A_105 = arith.constant 5 : index
    %get3A_106 = arith.constant 0 : index
    %get3A_107 = arith.constant 0 : index
    %get3A_108 = vector.load %arg2[%get3A_105, %get3A_106, %get3A_107] : memref<24x128x768xf32, #tpu.memory_space<vmem>>, vector<1x128x768xf32>
    %get3A_109 = vector.shape_cast %get3A_108 : vector<1x128x768xf32> to vector<128x768xf32>
    %dot_general3A_110 = arith.constant dense<0.000000e+00> : vector<128x128xf32>
    %dot_general3A_111 = tpu.matmul %get3A_109, %get3A_1, %dot_general3A_110 {dimension_numbers = #tpu.dot_dimension_numbers<[1], [1], [0], [0], [0, 0, 1, 0], [], []>, transpose_lhs_hint = false} : vector<128x768xf32>, vector<128x768xf32>, vector<128x128xf32> -> vector<128x128xf32>
    %mul3A_112 = arith.constant 24 : i32
    %mul3A_113 = arith.muli %arg0, %mul3A_112 : i32
    %add3A_114 = arith.constant 5 : i32
    %add3A_115 = arith.addi %mul3A_113, %add3A_114 : i32
    %lt3A_116 = arith.constant 196 : i32
    %lt3A_117 = arith.cmpi slt, %add3A_115, %lt3A_116 : i32
    %jit3A_118 = arith.constant 0xFF800000 : f32
    %broadcast_in_dim3A_119 = vector.broadcast %jit3A_118 : f32 to vector<128x128xf32>
    %select_n3A_120 = arith.select %lt3A_117, %dot_general3A_111, %broadcast_in_dim3A_119 : vector<128x128xf32>
    %max3A_121 = arith.maximumf %max3A_102, %select_n3A_120 : vector<128x128xf32>
    %min3A_122 = arith.minimumf %max3A_102, %select_n3A_120 : vector<128x128xf32>
    %max3A_123 = arith.maximumf %max3A_104, %min3A_122 : vector<128x128xf32>
    %get3A_124 = arith.constant 6 : index
    %get3A_125 = arith.constant 0 : index
    %get3A_126 = arith.constant 0 : index
    %get3A_127 = vector.load %arg2[%get3A_124, %get3A_125, %get3A_126] : memref<24x128x768xf32, #tpu.memory_space<vmem>>, vector<1x128x768xf32>
    %get3A_128 = vector.shape_cast %get3A_127 : vector<1x128x768xf32> to vector<128x768xf32>
    %dot_general3A_129 = arith.constant dense<0.000000e+00> : vector<128x128xf32>
    %dot_general3A_130 = tpu.matmul %get3A_128, %get3A_1, %dot_general3A_129 {dimension_numbers = #tpu.dot_dimension_numbers<[1], [1], [0], [0], [0, 0, 1, 0], [], []>, transpose_lhs_hint = false} : vector<128x768xf32>, vector<128x768xf32>, vector<128x128xf32> -> vector<128x128xf32>
    %mul3A_131 = arith.constant 24 : i32
    %mul3A_132 = arith.muli %arg0, %mul3A_131 : i32
    %add3A_133 = arith.constant 6 : i32
    %add3A_134 = arith.addi %mul3A_132, %add3A_133 : i32
    %lt3A_135 = arith.constant 196 : i32
    %lt3A_136 = arith.cmpi slt, %add3A_134, %lt3A_135 : i32
    %jit3A_137 = arith.constant 0xFF800000 : f32
    %broadcast_in_dim3A_138 = vector.broadcast %jit3A_137 : f32 to vector<128x128xf32>
    %select_n3A_139 = arith.select %lt3A_136, %dot_general3A_130, %broadcast_in_dim3A_138 : vector<128x128xf32>
    %max3A_140 = arith.maximumf %max3A_121, %select_n3A_139 : vector<128x128xf32>
    %min3A_141 = arith.minimumf %max3A_121, %select_n3A_139 : vector<128x128xf32>
    %max3A_142 = arith.maximumf %max3A_123, %min3A_141 : vector<128x128xf32>
    %get3A_143 = arith.constant 7 : index
    %get3A_144 = arith.constant 0 : index
    %get3A_145 = arith.constant 0 : index
    %get3A_146 = vector.load %arg2[%get3A_143, %get3A_144, %get3A_145] : memref<24x128x768xf32, #tpu.memory_space<vmem>>, vector<1x128x768xf32>
    %get3A_147 = vector.shape_cast %get3A_146 : vector<1x128x768xf32> to vector<128x768xf32>
    %dot_general3A_148 = arith.constant dense<0.000000e+00> : vector<128x128xf32>
    %dot_general3A_149 = tpu.matmul %get3A_147, %get3A_1, %dot_general3A_148 {dimension_numbers = #tpu.dot_dimension_numbers<[1], [1], [0], [0], [0, 0, 1, 0], [], []>, transpose_lhs_hint = false} : vector<128x768xf32>, vector<128x768xf32>, vector<128x128xf32> -> vector<128x128xf32>
    %mul3A_150 = arith.constant 24 : i32
    %mul3A_151 = arith.muli %arg0, %mul3A_150 : i32
    %add3A_152 = arith.constant 7 : i32
    %add3A_153 = arith.addi %mul3A_151, %add3A_152 : i32
    %lt3A_154 = arith.constant 196 : i32
    %lt3A_155 = arith.cmpi slt, %add3A_153, %lt3A_154 : i32
    %jit3A_156 = arith.constant 0xFF800000 : f32
    %broadcast_in_dim3A_157 = vector.broadcast %jit3A_156 : f32 to vector<128x128xf32>
    %select_n3A_158 = arith.select %lt3A_155, %dot_general3A_149, %broadcast_in_dim3A_157 : vector<128x128xf32>
    %max3A_159 = arith.maximumf %max3A_140, %select_n3A_158 : vector<128x128xf32>
    %min3A_160 = arith.minimumf %max3A_140, %select_n3A_158 : vector<128x128xf32>
    %max3A_161 = arith.maximumf %max3A_142, %min3A_160 : vector<128x128xf32>
    %get3A_162 = arith.constant 8 : index
    %get3A_163 = arith.constant 0 : index
    %get3A_164 = arith.constant 0 : index
    %get3A_165 = vector.load %arg2[%get3A_162, %get3A_163, %get3A_164] : memref<24x128x768xf32, #tpu.memory_space<vmem>>, vector<1x128x768xf32>
    %get3A_166 = vector.shape_cast %get3A_165 : vector<1x128x768xf32> to vector<128x768xf32>
    %dot_general3A_167 = arith.constant dense<0.000000e+00> : vector<128x128xf32>
    %dot_general3A_168 = tpu.matmul %get3A_166, %get3A_1, %dot_general3A_167 {dimension_numbers = #tpu.dot_dimension_numbers<[1], [1], [0], [0], [0, 0, 1, 0], [], []>, transpose_lhs_hint = false} : vector<128x768xf32>, vector<128x768xf32>, vector<128x128xf32> -> vector<128x128xf32>
    %mul3A_169 = arith.constant 24 : i32
    %mul3A_170 = arith.muli %arg0, %mul3A_169 : i32
    %add3A_171 = arith.constant 8 : i32
    %add3A_172 = arith.addi %mul3A_170, %add3A_171 : i32
    %lt3A_173 = arith.constant 196 : i32
    %lt3A_174 = arith.cmpi slt, %add3A_172, %lt3A_173 : i32
    %jit3A_175 = arith.constant 0xFF800000 : f32
    %broadcast_in_dim3A_176 = vector.broadcast %jit3A_175 : f32 to vector<128x128xf32>
    %select_n3A_177 = arith.select %lt3A_174, %dot_general3A_168, %broadcast_in_dim3A_176 : vector<128x128xf32>
    %max3A_178 = arith.maximumf %max3A_159, %select_n3A_177 : vector<128x128xf32>
    %min3A_179 = arith.minimumf %max3A_159, %select_n3A_177 : vector<128x128xf32>
    %max3A_180 = arith.maximumf %max3A_161, %min3A_179 : vector<128x128xf32>
    %get3A_181 = arith.constant 9 : index
    %get3A_182 = arith.constant 0 : index
    %get3A_183 = arith.constant 0 : index
    %get3A_184 = vector.load %arg2[%get3A_181, %get3A_182, %get3A_183] : memref<24x128x768xf32, #tpu.memory_space<vmem>>, vector<1x128x768xf32>
    %get3A_185 = vector.shape_cast %get3A_184 : vector<1x128x768xf32> to vector<128x768xf32>
    %dot_general3A_186 = arith.constant dense<0.000000e+00> : vector<128x128xf32>
    %dot_general3A_187 = tpu.matmul %get3A_185, %get3A_1, %dot_general3A_186 {dimension_numbers = #tpu.dot_dimension_numbers<[1], [1], [0], [0], [0, 0, 1, 0], [], []>, transpose_lhs_hint = false} : vector<128x768xf32>, vector<128x768xf32>, vector<128x128xf32> -> vector<128x128xf32>
    %mul3A_188 = arith.constant 24 : i32
    %mul3A_189 = arith.muli %arg0, %mul3A_188 : i32
    %add3A_190 = arith.constant 9 : i32
    %add3A_191 = arith.addi %mul3A_189, %add3A_190 : i32
    %lt3A_192 = arith.constant 196 : i32
    %lt3A_193 = arith.cmpi slt, %add3A_191, %lt3A_192 : i32
    %jit3A_194 = arith.constant 0xFF800000 : f32
    %broadcast_in_dim3A_195 = vector.broadcast %jit3A_194 : f32 to vector<128x128xf32>
    %select_n3A_196 = arith.select %lt3A_193, %dot_general3A_187, %broadcast_in_dim3A_195 : vector<128x128xf32>
    %max3A_197 = arith.maximumf %max3A_178, %select_n3A_196 : vector<128x128xf32>
    %min3A_198 = arith.minimumf %max3A_178, %select_n3A_196 : vector<128x128xf32>
    %max3A_199 = arith.maximumf %max3A_180, %min3A_198 : vector<128x128xf32>
    %get3A_200 = arith.constant 10 : index
    %get3A_201 = arith.constant 0 : index
    %get3A_202 = arith.constant 0 : index
    %get3A_203 = vector.load %arg2[%get3A_200, %get3A_201, %get3A_202] : memref<24x128x768xf32, #tpu.memory_space<vmem>>, vector<1x128x768xf32>
    %get3A_204 = vector.shape_cast %get3A_203 : vector<1x128x768xf32> to vector<128x768xf32>
    %dot_general3A_205 = arith.constant dense<0.000000e+00> : vector<128x128xf32>
    %dot_general3A_206 = tpu.matmul %get3A_204, %get3A_1, %dot_general3A_205 {dimension_numbers = #tpu.dot_dimension_numbers<[1], [1], [0], [0], [0, 0, 1, 0], [], []>, transpose_lhs_hint = false} : vector<128x768xf32>, vector<128x768xf32>, vector<128x128xf32> -> vector<128x128xf32>
    %mul3A_207 = arith.constant 24 : i32
    %mul3A_208 = arith.muli %arg0, %mul3A_207 : i32
    %add3A_209 = arith.constant 10 : i32
    %add3A_210 = arith.addi %mul3A_208, %add3A_209 : i32
    %lt3A_211 = arith.constant 196 : i32
    %lt3A_212 = arith.cmpi slt, %add3A_210, %lt3A_211 : i32
    %jit3A_213 = arith.constant 0xFF800000 : f32
    %broadcast_in_dim3A_214 = vector.broadcast %jit3A_213 : f32 to vector<128x128xf32>
    %select_n3A_215 = arith.select %lt3A_212, %dot_general3A_206, %broadcast_in_dim3A_214 : vector<128x128xf32>
    %max3A_216 = arith.maximumf %max3A_197, %select_n3A_215 : vector<128x128xf32>
    %min3A_217 = arith.minimumf %max3A_197, %select_n3A_215 : vector<128x128xf32>
    %max3A_218 = arith.maximumf %max3A_199, %min3A_217 : vector<128x128xf32>
    %get3A_219 = arith.constant 11 : index
    %get3A_220 = arith.constant 0 : index
    %get3A_221 = arith.constant 0 : index
    %get3A_222 = vector.load %arg2[%get3A_219, %get3A_220, %get3A_221] : memref<24x128x768xf32, #tpu.memory_space<vmem>>, vector<1x128x768xf32>
    %get3A_223 = vector.shape_cast %get3A_222 : vector<1x128x768xf32> to vector<128x768xf32>
    %dot_general3A_224 = arith.constant dense<0.000000e+00> : vector<128x128xf32>
    %dot_general3A_225 = tpu.matmul %get3A_223, %get3A_1, %dot_general3A_224 {dimension_numbers = #tpu.dot_dimension_numbers<[1], [1], [0], [0], [0, 0, 1, 0], [], []>, transpose_lhs_hint = false} : vector<128x768xf32>, vector<128x768xf32>, vector<128x128xf32> -> vector<128x128xf32>
    %mul3A_226 = arith.constant 24 : i32
    %mul3A_227 = arith.muli %arg0, %mul3A_226 : i32
    %add3A_228 = arith.constant 11 : i32
    %add3A_229 = arith.addi %mul3A_227, %add3A_228 : i32
    %lt3A_230 = arith.constant 196 : i32
    %lt3A_231 = arith.cmpi slt, %add3A_229, %lt3A_230 : i32
    %jit3A_232 = arith.constant 0xFF800000 : f32
    %broadcast_in_dim3A_233 = vector.broadcast %jit3A_232 : f32 to vector<128x128xf32>
    %select_n3A_234 = arith.select %lt3A_231, %dot_general3A_225, %broadcast_in_dim3A_233 : vector<128x128xf32>
    %max3A_235 = arith.maximumf %max3A_216, %select_n3A_234 : vector<128x128xf32>
    %min3A_236 = arith.minimumf %max3A_216, %select_n3A_234 : vector<128x128xf32>
    %max3A_237 = arith.maximumf %max3A_218, %min3A_236 : vector<128x128xf32>
    %get3A_238 = arith.constant 12 : index
    %get3A_239 = arith.constant 0 : index
    %get3A_240 = arith.constant 0 : index
    %get3A_241 = vector.load %arg2[%get3A_238, %get3A_239, %get3A_240] : memref<24x128x768xf32, #tpu.memory_space<vmem>>, vector<1x128x768xf32>
    %get3A_242 = vector.shape_cast %get3A_241 : vector<1x128x768xf32> to vector<128x768xf32>
    %dot_general3A_243 = arith.constant dense<0.000000e+00> : vector<128x128xf32>
    %dot_general3A_244 = tpu.matmul %get3A_242, %get3A_1, %dot_general3A_243 {dimension_numbers = #tpu.dot_dimension_numbers<[1], [1], [0], [0], [0, 0, 1, 0], [], []>, transpose_lhs_hint = false} : vector<128x768xf32>, vector<128x768xf32>, vector<128x128xf32> -> vector<128x128xf32>
    %mul3A_245 = arith.constant 24 : i32
    %mul3A_246 = arith.muli %arg0, %mul3A_245 : i32
    %add3A_247 = arith.constant 12 : i32
    %add3A_248 = arith.addi %mul3A_246, %add3A_247 : i32
    %lt3A_249 = arith.constant 196 : i32
    %lt3A_250 = arith.cmpi slt, %add3A_248, %lt3A_249 : i32
    %jit3A_251 = arith.constant 0xFF800000 : f32
    %broadcast_in_dim3A_252 = vector.broadcast %jit3A_251 : f32 to vector<128x128xf32>
    %select_n3A_253 = arith.select %lt3A_250, %dot_general3A_244, %broadcast_in_dim3A_252 : vector<128x128xf32>
    %max3A_254 = arith.maximumf %max3A_235, %select_n3A_253 : vector<128x128xf32>
    %min3A_255 = arith.minimumf %max3A_235, %select_n3A_253 : vector<128x128xf32>
    %max3A_256 = arith.maximumf %max3A_237, %min3A_255 : vector<128x128xf32>
    %get3A_257 = arith.constant 13 : index
    %get3A_258 = arith.constant 0 : index
    %get3A_259 = arith.constant 0 : index
    %get3A_260 = vector.load %arg2[%get3A_257, %get3A_258, %get3A_259] : memref<24x128x768xf32, #tpu.memory_space<vmem>>, vector<1x128x768xf32>
    %get3A_261 = vector.shape_cast %get3A_260 : vector<1x128x768xf32> to vector<128x768xf32>
    %dot_general3A_262 = arith.constant dense<0.000000e+00> : vector<128x128xf32>
    %dot_general3A_263 = tpu.matmul %get3A_261, %get3A_1, %dot_general3A_262 {dimension_numbers = #tpu.dot_dimension_numbers<[1], [1], [0], [0], [0, 0, 1, 0], [], []>, transpose_lhs_hint = false} : vector<128x768xf32>, vector<128x768xf32>, vector<128x128xf32> -> vector<128x128xf32>
    %mul3A_264 = arith.constant 24 : i32
    %mul3A_265 = arith.muli %arg0, %mul3A_264 : i32
    %add3A_266 = arith.constant 13 : i32
    %add3A_267 = arith.addi %mul3A_265, %add3A_266 : i32
    %lt3A_268 = arith.constant 196 : i32
    %lt3A_269 = arith.cmpi slt, %add3A_267, %lt3A_268 : i32
    %jit3A_270 = arith.constant 0xFF800000 : f32
    %broadcast_in_dim3A_271 = vector.broadcast %jit3A_270 : f32 to vector<128x128xf32>
    %select_n3A_272 = arith.select %lt3A_269, %dot_general3A_263, %broadcast_in_dim3A_271 : vector<128x128xf32>
    %max3A_273 = arith.maximumf %max3A_254, %select_n3A_272 : vector<128x128xf32>
    %min3A_274 = arith.minimumf %max3A_254, %select_n3A_272 : vector<128x128xf32>
    %max3A_275 = arith.maximumf %max3A_256, %min3A_274 : vector<128x128xf32>
    %get3A_276 = arith.constant 14 : index
    %get3A_277 = arith.constant 0 : index
    %get3A_278 = arith.constant 0 : index
    %get3A_279 = vector.load %arg2[%get3A_276, %get3A_277, %get3A_278] : memref<24x128x768xf32, #tpu.memory_space<vmem>>, vector<1x128x768xf32>
    %get3A_280 = vector.shape_cast %get3A_279 : vector<1x128x768xf32> to vector<128x768xf32>
    %dot_general3A_281 = arith.constant dense<0.000000e+00> : vector<128x128xf32>
    %dot_general3A_282 = tpu.matmul %get3A_280, %get3A_1, %dot_general3A_281 {dimension_numbers = #tpu.dot_dimension_numbers<[1], [1], [0], [0], [0, 0, 1, 0], [], []>, transpose_lhs_hint = false} : vector<128x768xf32>, vector<128x768xf32>, vector<128x128xf32> -> vector<128x128xf32>
    %mul3A_283 = arith.constant 24 : i32
    %mul3A_284 = arith.muli %arg0, %mul3A_283 : i32
    %add3A_285 = arith.constant 14 : i32
    %add3A_286 = arith.addi %mul3A_284, %add3A_285 : i32
    %lt3A_287 = arith.constant 196 : i32
    %lt3A_288 = arith.cmpi slt, %add3A_286, %lt3A_287 : i32
    %jit3A_289 = arith.constant 0xFF800000 : f32
    %broadcast_in_dim3A_290 = vector.broadcast %jit3A_289 : f32 to vector<128x128xf32>
    %select_n3A_291 = arith.select %lt3A_288, %dot_general3A_282, %broadcast_in_dim3A_290 : vector<128x128xf32>
    %max3A_292 = arith.maximumf %max3A_273, %select_n3A_291 : vector<128x128xf32>
    %min3A_293 = arith.minimumf %max3A_273, %select_n3A_291 : vector<128x128xf32>
    %max3A_294 = arith.maximumf %max3A_275, %min3A_293 : vector<128x128xf32>
    %get3A_295 = arith.constant 15 : index
    %get3A_296 = arith.constant 0 : index
    %get3A_297 = arith.constant 0 : index
    %get3A_298 = vector.load %arg2[%get3A_295, %get3A_296, %get3A_297] : memref<24x128x768xf32, #tpu.memory_space<vmem>>, vector<1x128x768xf32>
    %get3A_299 = vector.shape_cast %get3A_298 : vector<1x128x768xf32> to vector<128x768xf32>
    %dot_general3A_300 = arith.constant dense<0.000000e+00> : vector<128x128xf32>
    %dot_general3A_301 = tpu.matmul %get3A_299, %get3A_1, %dot_general3A_300 {dimension_numbers = #tpu.dot_dimension_numbers<[1], [1], [0], [0], [0, 0, 1, 0], [], []>, transpose_lhs_hint = false} : vector<128x768xf32>, vector<128x768xf32>, vector<128x128xf32> -> vector<128x128xf32>
    %mul3A_302 = arith.constant 24 : i32
    %mul3A_303 = arith.muli %arg0, %mul3A_302 : i32
    %add3A_304 = arith.constant 15 : i32
    %add3A_305 = arith.addi %mul3A_303, %add3A_304 : i32
    %lt3A_306 = arith.constant 196 : i32
    %lt3A_307 = arith.cmpi slt, %add3A_305, %lt3A_306 : i32
    %jit3A_308 = arith.constant 0xFF800000 : f32
    %broadcast_in_dim3A_309 = vector.broadcast %jit3A_308 : f32 to vector<128x128xf32>
    %select_n3A_310 = arith.select %lt3A_307, %dot_general3A_301, %broadcast_in_dim3A_309 : vector<128x128xf32>
    %max3A_311 = arith.maximumf %max3A_292, %select_n3A_310 : vector<128x128xf32>
    %min3A_312 = arith.minimumf %max3A_292, %select_n3A_310 : vector<128x128xf32>
    %max3A_313 = arith.maximumf %max3A_294, %min3A_312 : vector<128x128xf32>
    %get3A_314 = arith.constant 16 : index
    %get3A_315 = arith.constant 0 : index
    %get3A_316 = arith.constant 0 : index
    %get3A_317 = vector.load %arg2[%get3A_314, %get3A_315, %get3A_316] : memref<24x128x768xf32, #tpu.memory_space<vmem>>, vector<1x128x768xf32>
    %get3A_318 = vector.shape_cast %get3A_317 : vector<1x128x768xf32> to vector<128x768xf32>
    %dot_general3A_319 = arith.constant dense<0.000000e+00> : vector<128x128xf32>
    %dot_general3A_320 = tpu.matmul %get3A_318, %get3A_1, %dot_general3A_319 {dimension_numbers = #tpu.dot_dimension_numbers<[1], [1], [0], [0], [0, 0, 1, 0], [], []>, transpose_lhs_hint = false} : vector<128x768xf32>, vector<128x768xf32>, vector<128x128xf32> -> vector<128x128xf32>
    %mul3A_321 = arith.constant 24 : i32
    %mul3A_322 = arith.muli %arg0, %mul3A_321 : i32
    %add3A_323 = arith.constant 16 : i32
    %add3A_324 = arith.addi %mul3A_322, %add3A_323 : i32
    %lt3A_325 = arith.constant 196 : i32
    %lt3A_326 = arith.cmpi slt, %add3A_324, %lt3A_325 : i32
    %jit3A_327 = arith.constant 0xFF800000 : f32
    %broadcast_in_dim3A_328 = vector.broadcast %jit3A_327 : f32 to vector<128x128xf32>
    %select_n3A_329 = arith.select %lt3A_326, %dot_general3A_320, %broadcast_in_dim3A_328 : vector<128x128xf32>
    %max3A_330 = arith.maximumf %max3A_311, %select_n3A_329 : vector<128x128xf32>
    %min3A_331 = arith.minimumf %max3A_311, %select_n3A_329 : vector<128x128xf32>
    %max3A_332 = arith.maximumf %max3A_313, %min3A_331 : vector<128x128xf32>
    %get3A_333 = arith.constant 17 : index
    %get3A_334 = arith.constant 0 : index
    %get3A_335 = arith.constant 0 : index
    %get3A_336 = vector.load %arg2[%get3A_333, %get3A_334, %get3A_335] : memref<24x128x768xf32, #tpu.memory_space<vmem>>, vector<1x128x768xf32>
    %get3A_337 = vector.shape_cast %get3A_336 : vector<1x128x768xf32> to vector<128x768xf32>
    %dot_general3A_338 = arith.constant dense<0.000000e+00> : vector<128x128xf32>
    %dot_general3A_339 = tpu.matmul %get3A_337, %get3A_1, %dot_general3A_338 {dimension_numbers = #tpu.dot_dimension_numbers<[1], [1], [0], [0], [0, 0, 1, 0], [], []>, transpose_lhs_hint = false} : vector<128x768xf32>, vector<128x768xf32>, vector<128x128xf32> -> vector<128x128xf32>
    %mul3A_340 = arith.constant 24 : i32
    %mul3A_341 = arith.muli %arg0, %mul3A_340 : i32
    %add3A_342 = arith.constant 17 : i32
    %add3A_343 = arith.addi %mul3A_341, %add3A_342 : i32
    %lt3A_344 = arith.constant 196 : i32
    %lt3A_345 = arith.cmpi slt, %add3A_343, %lt3A_344 : i32
    %jit3A_346 = arith.constant 0xFF800000 : f32
    %broadcast_in_dim3A_347 = vector.broadcast %jit3A_346 : f32 to vector<128x128xf32>
    %select_n3A_348 = arith.select %lt3A_345, %dot_general3A_339, %broadcast_in_dim3A_347 : vector<128x128xf32>
    %max3A_349 = arith.maximumf %max3A_330, %select_n3A_348 : vector<128x128xf32>
    %min3A_350 = arith.minimumf %max3A_330, %select_n3A_348 : vector<128x128xf32>
    %max3A_351 = arith.maximumf %max3A_332, %min3A_350 : vector<128x128xf32>
    %get3A_352 = arith.constant 18 : index
    %get3A_353 = arith.constant 0 : index
    %get3A_354 = arith.constant 0 : index
    %get3A_355 = vector.load %arg2[%get3A_352, %get3A_353, %get3A_354] : memref<24x128x768xf32, #tpu.memory_space<vmem>>, vector<1x128x768xf32>
    %get3A_356 = vector.shape_cast %get3A_355 : vector<1x128x768xf32> to vector<128x768xf32>
    %dot_general3A_357 = arith.constant dense<0.000000e+00> : vector<128x128xf32>
    %dot_general3A_358 = tpu.matmul %get3A_356, %get3A_1, %dot_general3A_357 {dimension_numbers = #tpu.dot_dimension_numbers<[1], [1], [0], [0], [0, 0, 1, 0], [], []>, transpose_lhs_hint = false} : vector<128x768xf32>, vector<128x768xf32>, vector<128x128xf32> -> vector<128x128xf32>
    %mul3A_359 = arith.constant 24 : i32
    %mul3A_360 = arith.muli %arg0, %mul3A_359 : i32
    %add3A_361 = arith.constant 18 : i32
    %add3A_362 = arith.addi %mul3A_360, %add3A_361 : i32
    %lt3A_363 = arith.constant 196 : i32
    %lt3A_364 = arith.cmpi slt, %add3A_362, %lt3A_363 : i32
    %jit3A_365 = arith.constant 0xFF800000 : f32
    %broadcast_in_dim3A_366 = vector.broadcast %jit3A_365 : f32 to vector<128x128xf32>
    %select_n3A_367 = arith.select %lt3A_364, %dot_general3A_358, %broadcast_in_dim3A_366 : vector<128x128xf32>
    %max3A_368 = arith.maximumf %max3A_349, %select_n3A_367 : vector<128x128xf32>
    %min3A_369 = arith.minimumf %max3A_349, %select_n3A_367 : vector<128x128xf32>
    %max3A_370 = arith.maximumf %max3A_351, %min3A_369 : vector<128x128xf32>
    %get3A_371 = arith.constant 19 : index
    %get3A_372 = arith.constant 0 : index
    %get3A_373 = arith.constant 0 : index
    %get3A_374 = vector.load %arg2[%get3A_371, %get3A_372, %get3A_373] : memref<24x128x768xf32, #tpu.memory_space<vmem>>, vector<1x128x768xf32>
    %get3A_375 = vector.shape_cast %get3A_374 : vector<1x128x768xf32> to vector<128x768xf32>
    %dot_general3A_376 = arith.constant dense<0.000000e+00> : vector<128x128xf32>
    %dot_general3A_377 = tpu.matmul %get3A_375, %get3A_1, %dot_general3A_376 {dimension_numbers = #tpu.dot_dimension_numbers<[1], [1], [0], [0], [0, 0, 1, 0], [], []>, transpose_lhs_hint = false} : vector<128x768xf32>, vector<128x768xf32>, vector<128x128xf32> -> vector<128x128xf32>
    %mul3A_378 = arith.constant 24 : i32
    %mul3A_379 = arith.muli %arg0, %mul3A_378 : i32
    %add3A_380 = arith.constant 19 : i32
    %add3A_381 = arith.addi %mul3A_379, %add3A_380 : i32
    %lt3A_382 = arith.constant 196 : i32
    %lt3A_383 = arith.cmpi slt, %add3A_381, %lt3A_382 : i32
    %jit3A_384 = arith.constant 0xFF800000 : f32
    %broadcast_in_dim3A_385 = vector.broadcast %jit3A_384 : f32 to vector<128x128xf32>
    %select_n3A_386 = arith.select %lt3A_383, %dot_general3A_377, %broadcast_in_dim3A_385 : vector<128x128xf32>
    %max3A_387 = arith.maximumf %max3A_368, %select_n3A_386 : vector<128x128xf32>
    %min3A_388 = arith.minimumf %max3A_368, %select_n3A_386 : vector<128x128xf32>
    %max3A_389 = arith.maximumf %max3A_370, %min3A_388 : vector<128x128xf32>
    %get3A_390 = arith.constant 20 : index
    %get3A_391 = arith.constant 0 : index
    %get3A_392 = arith.constant 0 : index
    %get3A_393 = vector.load %arg2[%get3A_390, %get3A_391, %get3A_392] : memref<24x128x768xf32, #tpu.memory_space<vmem>>, vector<1x128x768xf32>
    %get3A_394 = vector.shape_cast %get3A_393 : vector<1x128x768xf32> to vector<128x768xf32>
    %dot_general3A_395 = arith.constant dense<0.000000e+00> : vector<128x128xf32>
    %dot_general3A_396 = tpu.matmul %get3A_394, %get3A_1, %dot_general3A_395 {dimension_numbers = #tpu.dot_dimension_numbers<[1], [1], [0], [0], [0, 0, 1, 0], [], []>, transpose_lhs_hint = false} : vector<128x768xf32>, vector<128x768xf32>, vector<128x128xf32> -> vector<128x128xf32>
    %mul3A_397 = arith.constant 24 : i32
    %mul3A_398 = arith.muli %arg0, %mul3A_397 : i32
    %add3A_399 = arith.constant 20 : i32
    %add3A_400 = arith.addi %mul3A_398, %add3A_399 : i32
    %lt3A_401 = arith.constant 196 : i32
    %lt3A_402 = arith.cmpi slt, %add3A_400, %lt3A_401 : i32
    %jit3A_403 = arith.constant 0xFF800000 : f32
    %broadcast_in_dim3A_404 = vector.broadcast %jit3A_403 : f32 to vector<128x128xf32>
    %select_n3A_405 = arith.select %lt3A_402, %dot_general3A_396, %broadcast_in_dim3A_404 : vector<128x128xf32>
    %max3A_406 = arith.maximumf %max3A_387, %select_n3A_405 : vector<128x128xf32>
    %min3A_407 = arith.minimumf %max3A_387, %select_n3A_405 : vector<128x128xf32>
    %max3A_408 = arith.maximumf %max3A_389, %min3A_407 : vector<128x128xf32>
    %get3A_409 = arith.constant 21 : index
    %get3A_410 = arith.constant 0 : index
    %get3A_411 = arith.constant 0 : index
    %get3A_412 = vector.load %arg2[%get3A_409, %get3A_410, %get3A_411] : memref<24x128x768xf32, #tpu.memory_space<vmem>>, vector<1x128x768xf32>
    %get3A_413 = vector.shape_cast %get3A_412 : vector<1x128x768xf32> to vector<128x768xf32>
    %dot_general3A_414 = arith.constant dense<0.000000e+00> : vector<128x128xf32>
    %dot_general3A_415 = tpu.matmul %get3A_413, %get3A_1, %dot_general3A_414 {dimension_numbers = #tpu.dot_dimension_numbers<[1], [1], [0], [0], [0, 0, 1, 0], [], []>, transpose_lhs_hint = false} : vector<128x768xf32>, vector<128x768xf32>, vector<128x128xf32> -> vector<128x128xf32>
    %mul3A_416 = arith.constant 24 : i32
    %mul3A_417 = arith.muli %arg0, %mul3A_416 : i32
    %add3A_418 = arith.constant 21 : i32
    %add3A_419 = arith.addi %mul3A_417, %add3A_418 : i32
    %lt3A_420 = arith.constant 196 : i32
    %lt3A_421 = arith.cmpi slt, %add3A_419, %lt3A_420 : i32
    %jit3A_422 = arith.constant 0xFF800000 : f32
    %broadcast_in_dim3A_423 = vector.broadcast %jit3A_422 : f32 to vector<128x128xf32>
    %select_n3A_424 = arith.select %lt3A_421, %dot_general3A_415, %broadcast_in_dim3A_423 : vector<128x128xf32>
    %max3A_425 = arith.maximumf %max3A_406, %select_n3A_424 : vector<128x128xf32>
    %min3A_426 = arith.minimumf %max3A_406, %select_n3A_424 : vector<128x128xf32>
    %max3A_427 = arith.maximumf %max3A_408, %min3A_426 : vector<128x128xf32>
    %get3A_428 = arith.constant 22 : index
    %get3A_429 = arith.constant 0 : index
    %get3A_430 = arith.constant 0 : index
    %get3A_431 = vector.load %arg2[%get3A_428, %get3A_429, %get3A_430] : memref<24x128x768xf32, #tpu.memory_space<vmem>>, vector<1x128x768xf32>
    %get3A_432 = vector.shape_cast %get3A_431 : vector<1x128x768xf32> to vector<128x768xf32>
    %dot_general3A_433 = arith.constant dense<0.000000e+00> : vector<128x128xf32>
    %dot_general3A_434 = tpu.matmul %get3A_432, %get3A_1, %dot_general3A_433 {dimension_numbers = #tpu.dot_dimension_numbers<[1], [1], [0], [0], [0, 0, 1, 0], [], []>, transpose_lhs_hint = false} : vector<128x768xf32>, vector<128x768xf32>, vector<128x128xf32> -> vector<128x128xf32>
    %mul3A_435 = arith.constant 24 : i32
    %mul3A_436 = arith.muli %arg0, %mul3A_435 : i32
    %add3A_437 = arith.constant 22 : i32
    %add3A_438 = arith.addi %mul3A_436, %add3A_437 : i32
    %lt3A_439 = arith.constant 196 : i32
    %lt3A_440 = arith.cmpi slt, %add3A_438, %lt3A_439 : i32
    %jit3A_441 = arith.constant 0xFF800000 : f32
    %broadcast_in_dim3A_442 = vector.broadcast %jit3A_441 : f32 to vector<128x128xf32>
    %select_n3A_443 = arith.select %lt3A_440, %dot_general3A_434, %broadcast_in_dim3A_442 : vector<128x128xf32>
    %max3A_444 = arith.maximumf %max3A_425, %select_n3A_443 : vector<128x128xf32>
    %min3A_445 = arith.minimumf %max3A_425, %select_n3A_443 : vector<128x128xf32>
    %max3A_446 = arith.maximumf %max3A_427, %min3A_445 : vector<128x128xf32>
    %get3A_447 = arith.constant 23 : index
    %get3A_448 = arith.constant 0 : index
    %get3A_449 = arith.constant 0 : index
    %get3A_450 = vector.load %arg2[%get3A_447, %get3A_448, %get3A_449] : memref<24x128x768xf32, #tpu.memory_space<vmem>>, vector<1x128x768xf32>
    %get3A_451 = vector.shape_cast %get3A_450 : vector<1x128x768xf32> to vector<128x768xf32>
    %dot_general3A_452 = arith.constant dense<0.000000e+00> : vector<128x128xf32>
    %dot_general3A_453 = tpu.matmul %get3A_451, %get3A_1, %dot_general3A_452 {dimension_numbers = #tpu.dot_dimension_numbers<[1], [1], [0], [0], [0, 0, 1, 0], [], []>, transpose_lhs_hint = false} : vector<128x768xf32>, vector<128x768xf32>, vector<128x128xf32> -> vector<128x128xf32>
    %mul3A_454 = arith.constant 24 : i32
    %mul3A_455 = arith.muli %arg0, %mul3A_454 : i32
    %add3A_456 = arith.constant 23 : i32
    %add3A_457 = arith.addi %mul3A_455, %add3A_456 : i32
    %lt3A_458 = arith.constant 196 : i32
    %lt3A_459 = arith.cmpi slt, %add3A_457, %lt3A_458 : i32
    %jit3A_460 = arith.constant 0xFF800000 : f32
    %broadcast_in_dim3A_461 = vector.broadcast %jit3A_460 : f32 to vector<128x128xf32>
    %select_n3A_462 = arith.select %lt3A_459, %dot_general3A_453, %broadcast_in_dim3A_461 : vector<128x128xf32>
    %max3A_463 = arith.maximumf %max3A_444, %select_n3A_462 : vector<128x128xf32>
    %min3A_464 = arith.minimumf %max3A_444, %select_n3A_462 : vector<128x128xf32>
    %max3A_465 = arith.maximumf %max3A_446, %min3A_464 : vector<128x128xf32>
    %swap3A_466 = arith.constant 0 : index
    %swap3A_467 = arith.constant 0 : index
    %swap3A_468 = vector.load %arg5[%swap3A_466, %swap3A_467] : memref<128x128xf32, #tpu.memory_space<vmem>>, vector<128x128xf32>
    tpu.vector_store %arg5[%swap3A_466, %swap3A_467], %max3A_463 {strides = array<i32>} : memref<128x128xf32, #tpu.memory_space<vmem>>, vector<128x128xf32>,
    %swap3A_469 = arith.constant 0 : index
    %swap3A_470 = arith.constant 0 : index
    %swap3A_471 = vector.load %arg6[%swap3A_469, %swap3A_470] : memref<128x128xf32, #tpu.memory_space<vmem>>, vector<128x128xf32>
    tpu.vector_store %arg6[%swap3A_469, %swap3A_470], %max3A_465 {strides = array<i32>} : memref<128x128xf32, #tpu.memory_space<vmem>>, vector<128x128xf32>,
    %eq3A_472 = arith.constant 8 : i32
    %eq3A_473 = arith.cmpi eq, %arg0, %eq3A_472 : i32
    %convert_element_type3A_474 = arith.extui %eq3A_473 : i1 to i32
    %cond3A_475 = arith.constant 0 : i32
    %cond3A_476 = arith.cmpi ne, %convert_element_type3A_474, %cond3A_475 : i32
    scf.if %cond3A_476 {
      %get3A_477 = arith.constant 0 : index
      %get3A_478 = arith.constant 0 : index
      %get3A_479 = vector.load %arg7[%get3A_477, %get3A_478] : memref<216x768xf32, #tpu.memory_space<vmem>>, vector<216x768xf32>
      %dot_general3A_480 = arith.constant dense<0.000000e+00> : vector<216x128xf32>
      %dot_general3A_481 = tpu.matmul %get3A_479, %get3A_1, %dot_general3A_480 {dimension_numbers = #tpu.dot_dimension_numbers<[1], [1], [0], [0], [0, 0, 1, 0], [], []>, transpose_lhs_hint = false} : vector<216x768xf32>, vector<128x768xf32>, vector<216x128xf32> -> vector<216x128xf32>
      %iota3A = tpu.iota {dimensions = array<i32: 0>} : vector<216x128xi32>
      %lt3A_482 = arith.constant 196 : i32
      %lt3A_483 = vector.broadcast %lt3A_482 : i32 to vector<216x128xi32>
      %lt3A_484 = arith.cmpi slt, %iota3A, %lt3A_483 : vector<216x128xi32>
      %jit3A_485 = arith.constant 0xFF800000 : f32
      %broadcast_in_dim3A_486 = vector.broadcast %jit3A_485 : f32 to vector<216x128xf32>
      %select_n3A_487 = arith.select %lt3A_484, %dot_general3A_481, %broadcast_in_dim3A_486 : vector<216x128xi1>, vector<216x128xf32>
      %reduce_max3A = arith.constant dense<0xFF800000> : vector<128xf32>
      %reduce_max3A_488 = vector.multi_reduction <maximumf>, %select_n3A_487, %reduce_max3A [0] : vector<216x128xf32> to vector<128xf32>
      %broadcast_in_dim3A_489 = vector.shape_cast %reduce_max3A_488 : vector<128xf32> to vector<1x128xf32>
      %eq3A_490 = vector.broadcast %broadcast_in_dim3A_489 : vector<1x128xf32> to vector<216x128xf32>
      %eq3A_491 = arith.cmpf oeq, %select_n3A_487, %eq3A_490 : vector<216x128xf32>
      %jit3A_492 = arith.constant 196 : i32
      %broadcast_in_dim3A_493 = vector.broadcast %jit3A_492 : i32 to vector<216x128xi32>
      %select_n3A_494 = arith.select %eq3A_491, %iota3A, %broadcast_in_dim3A_493 : vector<216x128xi1>, vector<216x128xi32>
      %reduce_min3A = arith.constant dense<2147483647> : vector<128xi32>
      %reduce_min3A_495 = vector.multi_reduction <minsi>, %select_n3A_494, %reduce_min3A [0] : vector<216x128xi32> to vector<128xi32>
      %broadcast_in_dim3A_496 = vector.shape_cast %reduce_min3A_495 : vector<128xi32> to vector<1x128xi32>
      %iota3A_497 = tpu.iota {dimensions = array<i32: 1>} : vector<1x128xi32>
      %mul3A_498 = arith.constant 128 : i32
      %mul3A_499 = vector.broadcast %mul3A_498 : i32 to vector<1x128xi32>
      %mul3A_500 = arith.muli %broadcast_in_dim3A_496, %mul3A_499 : vector<1x128xi32>
      %add3A_501 = arith.addi %mul3A_500, %iota3A_497 : vector<1x128xi32>
      %swap3A_502 = arith.constant 0 : index
      %swap3A_503 = arith.constant 0 : index
      %swap3A_504 = vector.load %arg4[%swap3A_502, %swap3A_503] : memref<1x128xi32, #tpu.memory_space<vmem>>, vector<1x128xi32>
      tpu.vector_store %arg4[%swap3A_502, %swap3A_503], %add3A_501 {strides = array<i32>} : memref<1x128xi32, #tpu.memory_space<vmem>>, vector<1x128xi32>,
      %get3A_505 = arith.constant 0 : index
      %get3A_506 = arith.constant 0 : index
      %get3A_507 = vector.load %arg5[%get3A_505, %get3A_506] : memref<128x128xf32, #tpu.memory_space<vmem>>, vector<128x128xf32>
      %get3A_508 = arith.constant 0 : index
      %get3A_509 = arith.constant 0 : index
      %get3A_510 = vector.load %arg6[%get3A_508, %get3A_509] : memref<128x128xf32, #tpu.memory_space<vmem>>, vector<128x128xf32>
      %reduce_max3A_511 = arith.constant dense<0xFF800000> : vector<128xf32>
      %reduce_max3A_512 = vector.multi_reduction <maximumf>, %get3A_507, %reduce_max3A_511 [0] : vector<128x128xf32> to vector<128xf32>
      %broadcast_in_dim3A_513 = vector.shape_cast %reduce_max3A_512 : vector<128xf32> to vector<1x128xf32>
      %reduce_max3A_514 = arith.constant dense<0xFF800000> : vector<128xf32>
      %reduce_max3A_515 = vector.multi_reduction <maximumf>, %get3A_510, %reduce_max3A_514 [0] : vector<128x128xf32> to vector<128xf32>
      %broadcast_in_dim3A_516 = vector.shape_cast %reduce_max3A_515 : vector<128xf32> to vector<1x128xf32>
      %max3A_517 = arith.maximumf %broadcast_in_dim3A_513, %broadcast_in_dim3A_516 : vector<1x128xf32>
      %sub3A = vector.broadcast %max3A_517 : vector<1x128xf32> to vector<128x128xf32>
      %sub3A_518 = arith.subf %get3A_507, %sub3A : vector<128x128xf32>
      %exp3A = math.exp %sub3A_518 : vector<128x128xf32>
      %sub3A_519 = vector.broadcast %max3A_517 : vector<1x128xf32> to vector<128x128xf32>
      %sub3A_520 = arith.subf %get3A_510, %sub3A_519 : vector<128x128xf32>
      %exp3A_521 = math.exp %sub3A_520 : vector<128x128xf32>
      %iota3A_522 = tpu.iota {dimensions = array<i32: 1>} : vector<128x128xi32>
      %iota3A_523 = tpu.iota {dimensions = array<i32: 0>} : vector<128x128xi32>
      %eq3A_524 = arith.cmpi eq, %iota3A_522, %iota3A_523 : vector<128x128xi32>
      %reduce_sum3A_525 = arith.constant dense<0.000000e+00> : vector<128xf32>
      %reduce_sum3A_526 = vector.multi_reduction <add>, %exp3A, %reduce_sum3A_525 [0] : vector<128x128xf32> to vector<128xf32>
      %reduce_sum3A_527 = arith.constant dense<0.000000e+00> : vector<128xf32>
      %reduce_sum3A_528 = vector.multi_reduction <add>, %exp3A_521, %reduce_sum3A_527 [0] : vector<128x128xf32> to vector<128xf32>
      %add3A_529 = arith.addf %reduce_sum3A_526, %reduce_sum3A_528 : vector<128xf32>
      %jit3A_530 = arith.constant 0.000000e+00 : f32
      %broadcast_in_dim3A_531 = vector.broadcast %jit3A_530 : f32 to vector<128x128xf32>
      %select_n3A_532 = arith.select %eq3A_524, %exp3A_521, %broadcast_in_dim3A_531 : vector<128x128xi1>, vector<128x128xf32>
      %reduce_sum3A_533 = arith.constant dense<0.000000e+00> : vector<128xf32>
      %reduce_sum3A_534 = vector.multi_reduction <add>, %select_n3A_532, %reduce_sum3A_533 [0] : vector<128x128xf32> to vector<128xf32>
      %sub3A_535 = arith.subf %add3A_529, %reduce_sum3A_534 : vector<128xf32>
      %log3A = math.log %sub3A_535 : vector<128xf32>
      %squeeze3A = vector.shape_cast %max3A_517 : vector<1x128xf32> to vector<128xf32>
      %add3A_536 = arith.addf %log3A, %squeeze3A : vector<128xf32>
      %jit3A_537 = arith.constant 0.000000e+00 : f32
      %broadcast_in_dim3A_538 = vector.broadcast %jit3A_537 : f32 to vector<128x128xf32>
      %select_n3A_539 = arith.select %eq3A_524, %get3A_507, %broadcast_in_dim3A_538 : vector<128x128xi1>, vector<128x128xf32>
      %reduce_sum3A_540 = arith.constant dense<0.000000e+00> : vector<128xf32>
      %reduce_sum3A_541 = vector.multi_reduction <add>, %select_n3A_539, %reduce_sum3A_540 [0] : vector<128x128xf32> to vector<128xf32>
      %sub3A_542 = arith.subf %add3A_536, %reduce_sum3A_541 : vector<128xf32>
      %reduce_sum3A_543 = vector.shape_cast %sub3A_542 : vector<128xf32> to vector<1x128xf32>
      %reduce_sum3A_544 = arith.constant dense<0.000000e+00> : vector<1xf32>
      %reduce_sum3A_545 = vector.multi_reduction <add>, %reduce_sum3A_543, %reduce_sum3A_544 [1] : vector<1x128xf32> to vector<1xf32>
      %reduce_sum3A_546 = vector.shape_cast %reduce_sum3A_545 : vector<1xf32> to vector<1x1xf32>
      %reduce_sum3A_547 = vector.extract %reduce_sum3A_546[0, 0] : f32 from vector<1x1xf32>
      %mul3A_548 = arith.constant 7.812500e-03 : f32
      %mul3A_549 = arith.mulf %reduce_sum3A_547, %mul3A_548 : f32
      %reshape3A = vector.broadcast %mul3A_549 : f32 to vector<1x1xf32>
      %swap3A_550 = arith.constant 0 : index
      %swap3A_551 = arith.constant 0 : index
      %swap3A_552 = vector.load %arg3[%swap3A_550, %swap3A_551] : memref<1x1xf32, #tpu.memory_space<vmem>>, vector<1x1xf32>
      tpu.vector_store %arg3[%swap3A_550, %swap3A_551], %reshape3A {strides = array<i32>} : memref<1x1xf32, #tpu.memory_space<vmem>>, vector<1x1xf32>,
    } else {
    }
    return
  }
  func.func @transform_0(%arg0: i32) -> (i32, i32) {
    %c0_i32 = arith.constant 0 : i32
    %c0_i32_0 = arith.constant 0 : i32
    %c0_i32_1 = arith.constant 0 : i32
    return %c0_i32, %c0_i32_0 : i32, i32
  }
  func.func @transform_1(%arg0: i32) -> (i32, i32, i32) {
    %c0_i32 = arith.constant 0 : i32
    %c0_i32_0 = arith.constant 0 : i32
    %c0_i32_1 = arith.constant 0 : i32
    return %arg0, %c0_i32, %c0_i32_0 : i32, i32, i32
  }
  func.func @transform_2(%arg0: i32) -> (i32, i32) {
    %c0_i32 = arith.constant 0 : i32
    %c0_i32_0 = arith.constant 0 : i32
    %c0_i32_1 = arith.constant 0 : i32
    return %c0_i32, %c0_i32_0 : i32, i32
  }
  func.func @transform_3(%arg0: i32) -> (i32, i32) {
    %c0_i32 = arith.constant 0 : i32
    %c0_i32_0 = arith.constant 0 : i32
    %c0_i32_1 = arith.constant 0 : i32
    return %c0_i32, %c0_i32_0 : i32, i32
  }
}

</mosaic_0001>

<sc_bundles>
// kernel: kernel.4.cloned.1.call-start
scs
__scs_entry_jumppad:
0x0: {  	(pc) =	sbr.rel $0x88, $3  }
0x1: {  	(tag) =	ssettag $0x0;
	lr =	simm.s32 $0x1  }
0x2: {  	[smem:$0x3F9F] =	sst lr;
	_ =	strace $0xD0000000  }
0x3: {  	_ = 	snop  }
0x4: {  	_ = 	snop  }
0x5: {  	_ = 	snop  }
0x6: {  	_ = 	snop  }
0x7: {  	_ = 	snop  }
__scs_overlays_trampoline_lowered:
0x8: {  	[smem:$0x3FAE] =	sst s0  }
0x9: {  	[smem:$0x3FAF] =	sst s1  }
0xa: {  	[smem:$0x3FB0] =	sst s2  }
0xb: {  	[smem:$0x3FB1] =	sst s3  }
0xc: {  	[smem:$0x3FB2] =	sst s4  }
0xd: {  	[smem:$0x3FB3] =	sst s5  }
0xe: {  	[smem:$0x3FB4] =	sst s6  }
0xf: {  	[smem:$0x3FB5] =	sst s7  }
0x10: {  	[smem:$0x3FB6] =	sst s8  }
0x11: {  	[smem:$0x3FB7] =	sst s9;
	s0 =	simm.s32 @!p0 $0x0  }
0x12: {  	s1 =	sld [smem:$0x3F9D];
	s0 =	simm.s32 @p0 $0x1  }
0x13: {  	[smem:$0x3FB8] =	sst s0;
	s0 =	simm.s32 @!p1 $0x0  }
0x14: {  	s2 =	sld [smem:$0x3F9C];
	s0 =	simm.s32 @p1 $0x1  }
0x15: {  	[smem:$0x3FB9] =	sst s0;
	s0 =	simm.s32 @!p2 $0x0  }
0x16: {  	s3 =	sld [smem:$0x3FDB];
	s0 =	simm.s32 @p2 $0x1  }
0x17: {  	s4 =	simm.s32 $0x1BF5;
	[smem:$0x3FBB] =	sst s0  }
0x18: {  	s0 =	sld [smem:$0x3F9E];
	_ =	swait.ge [sflag:s4], $0x0  }
0x19: {  	s7 =	sld [smem:$0x3F9F]  }
0x1a: {  	s8 =	sadd.s32 $0xFFFFE003, lr  }
0x1b: {  	s9 =	sadd.s32 $0xFFFFFEF7, lr;
	s5 =	simm.s32 $0xFFFFFFFF;
	p2 =	slt.u32 s8, $0xFFFFF086  }
0x1c: {  	p1 =	slt.u32 s9, $0xF7A;
	s5 =	simm.s32 @!p2 $0x0  }
0x1d: {  	s5 =	simm.s32 @p1 $0x1;
	p0 =	seq.s32 s7, s2  }
0x1e: {  	s7 =	smul.u32 @!p0 $0xF7A, s2;
	p2 =	seq.s32 @!p0 s5, $0x0  }
0x1f: {  	s9 =	smul.u32 $0xF7A, s1;
	s8 =	simm.s32 @!p0 $0x1BF5;
	p2 =	por !p2, p0  }
0x20: {  	[sflag:s8] =	ssyncset.s32 @!p0 $0xFFFFF086;
	s6 =	sadd.s32 @!p0 s3, s7;
	s7 =	simm.s32 @!p0 $0x108  }
0x21: {  	s3 =	sadd.s32 s3, s9;
	s6 =	sadd.s32 @!p0 $0x88, s6;
	s7 =	simm.s32 @p2 $0x1082  }
0x22: {  	[simem:s7], [sflag:s8] =	dma.local @!p0 [hbm:s6], $0xF7A  }
0x23: {  	s9 =	sor.u32 $0xD0000000, s2;
	s6 =	simm.s32 $0x108;
	_ =	swait.ge @!p0 [sflag:s8], $0x0  }
0x24: {  	s3 =	sadd.s32 $0x88, s3;
	s6 =	simm.s32 @!p1 $0x1082;
	[sflag:s4] =	ssyncset.s32 $0xFFFFF086  }
0x25: {  	[simem:s6], [sflag:s4] =	dma.local [hbm:s3], $0xF7A  }
0x26: {  	[smem:$0x3F9F] =	sst s1;
	(tag) =	ssettag s2;
	_ =	strace s9  }
0x27: {  	s1 =	sld [smem:$0x3FAF]  }
0x28: {  	s2 =	sld [smem:$0x3FB0]  }
0x29: {  	s4 =	sld [smem:$0x3FB2]  }
0x2a: {  	p0 =	seq.s32 s5, $0x0;
	s5 =	sld [smem:$0x3FB3]  }
0x2b: {  	s6 =	sld [smem:$0x3FB4]  }
0x2c: {  	s7 =	sld [smem:$0x3FB5]  }
0x2d: {  	s3 =	simm.s32 $0x108;
	s8 =	sld [smem:$0x3FB6]  }
0x2e: {  	s3 =	simm.s32 @!p0 $0x1082;
	s9 =	sld [smem:$0x3FB7]  }
0x2f: {  	lr =	sadd.s32 s0, s3;
	s0 =	sld [smem:$0x3FAE]  }
0x30: {  	s3 =	sld [smem:$0x3FB1]  }
0x31: {  	[smem:$0x3FBA] =	sst s10  }
0x32: {  	s10 =	sld [smem:$0x3FB8];
	_ =	sdelay $0x3  }
0x33: {  	p0 =	seq.s32 s10, $0x1;
	s10 =	sld [smem:$0x3FBA];
	_ =	sdelay $0x3  }
0x34: {  	[smem:$0x3FBA] =	sst s10  }
0x35: {  	s10 =	sld [smem:$0x3FB9];
	_ =	sdelay $0x3  }
0x36: {  	p1 =	seq.s32 s10, $0x1;
	s10 =	sld [smem:$0x3FBA];
	_ =	sdelay $0x3  }
0x37: {  	[smem:$0x3FBA] =	sst s10  }
0x38: {  	s10 =	sld [smem:$0x3FBB]  }
0x39: {  	_ = 	snop;
	(pc) =	sbr.ind lr, $3  }
0x3a: {  	_ = 	snop  }
0x3b: {  	_ = 	snop  }
0x3c: {  	p2 =	seq.s32 s10, $0x1;
	s10 =	sld [smem:$0x3FBA]  }
0x3d: {  	_ =	shalt  }
0x3e: {  	_ =	shalt  }
0x3f: {  	_ =	shalt  }
0x40: {  	_ =	shalt  }
0x41: {  	_ =	shalt  }
0x42: {  	_ =	shalt  }
0x43: {  	_ =	shalt  }
0x44: {  	_ =	shalt  }
0x45: {  	_ =	shalt  }
0x46: {  	_ =	shalt  }
0x47: {  	_ =	shalt  }
0x48: {  	_ =	shalt  }
0x49: {  	_ =	shalt  }
0x4a: {  	_ =	shalt  }
0x4b: {  	_ =	shalt  }
0x4c: {  	_ =	shalt  }
0x4d: {  	_ =	shalt  }
0x4e: {  	_ =	shalt  }
0x4f: {  	_ =	shalt  }
0x50: {  	_ =	shalt  }
0x51: {  	_ =	shalt  }
0x52: {  	_ =	shalt  }
0x53: {  	_ =	shalt  }
0x54: {  	_ =	shalt  }
0x55: {  	_ =	shalt  }
0x56: {  	_ =	shalt  }
0x57: {  	_ =	shalt  }
0x58: {  	_ =	shalt  }
0x59: {  	_ =	shalt  }
0x5a: {  	_ =	shalt  }
0x5b: {  	_ =	shalt  }
0x5c: {  	_ =	shalt  }
0x5d: {  	_ =	shalt  }
0x5e: {  	_ =	shalt  }
0x5f: {  	_ =	shalt  }
0x60: {  	_ =	shalt  }
0x61: {  	_ =	shalt  }
0x62: {  	_ =	shalt  }
0x63: {  	_ =	shalt  }
0x64: {  	_ =	shalt  }
0x65: {  	_ =	shalt  }
0x66: {  	_ =	shalt  }
0x67: {  	_ =	shalt  }
0x68: {  	_ =	shalt  }
0x69: {  	_ =	shalt  }
0x6a: {  	_ =	shalt  }
0x6b: {  	_ =	shalt  }
0x6c: {  	_ =	shalt  }
0x6d: {  	_ =	shalt  }
0x6e: {  	_ =	shalt  }
0x6f: {  	_ =	shalt  }
0x70: {  	_ =	shalt  }
0x71: {  	_ =	shalt  }
0x72: {  	_ =	shalt  }
0x73: {  	_ =	shalt  }
0x74: {  	_ =	shalt  }
0x75: {  	_ =	shalt  }
0x76: {  	_ =	shalt  }
0x77: {  	_ =	shalt  }
0x78: {  	_ =	shalt  }
0x79: {  	_ =	shalt  }
0x7a: {  	_ =	shalt  }
0x7b: {  	_ =	shalt  }
0x7c: {  	_ =	shalt  }
0x7d: {  	_ =	shalt  }
0x7e: {  	_ =	shalt  }
0x7f: {  	_ =	shalt  }
0x80: {  	_ =	shalt  }
0x81: {  	_ =	shalt  }
0x82: {  	_ =	shalt  }
0x83: {  	_ =	shalt  }
0x84: {  	_ =	shalt  }
0x85: {  	_ =	shalt  }
0x86: {  	_ =	shalt  }
0x87: {  	_ =	shalt  }
.Lfunc_end0:
.L_simem_size_0:
called_computation_lowered:
.L_overlay_start_0:
0x88: {  	s2 =	sld [smem:$0x3FD9]  }
0x89: {  	s3 =	sld [smem:$0x3FFE];
	_ =	sdelay $0x1  }
0x8a: {  	s1 =	srdreg.scid  }
0x8b: {  	s0 =	sand.u32 $0x1, s1  }
0x8c: {  	s14 =	sshll.u32 s0, $0xA;
	s2 =	sadd.s32 s3, s2  }
0x8d: {  	s2 =	sadd.s32 s2, s14  }
0x8e: {  	[smem:$0x3FC6] =	sst s2  }
0x8f: {  	_ = 	snop  }
0x90: {  	s2 =	sld [smem:$0x3FD0];
	_ =	sdelay $0x2  }
0x91: {  	s4 =	simm.s32 $0xA;
	s5 =	simm.s32 $0x10;
	s15 =	sld [smem:$0x3FC9]  }
0x92: {  	[smem:s5], [sflag:s4] =	dma.local [hbm:s2], $0x1  }
0x93: {  	_ =	swait.eq [sflag:s4], $0x1  }
0x94: {  	[sflag:s4] =	ssyncset.done $0x0  }
0x95: {  	[sflag:s4] =	ssyncadd.s32 $0xFFFFFFFF  }
0x96: {  	s16 =	sld [smem:$0x11];
	(tm) =	ssettm $0x1  }
0x97: {  	s17 =	sld [smem:$0x3FFB];
	_ =	sdelay $0x3  }
0x98: {  	_ =	strace s17  }
0x99: {  	s4 =	sld [smem:$0x3FFC];
	_ =	sdelay $0x3  }
0x9a: {  	_ =	strace s4  }
0x9b: {  	s4 =	sld [smem:$0x3FFD];
	_ =	sdelay $0x3  }
0x9c: {  	_ =	strace s4  }
0x9d: {  	_ =	strace $0x8FFFFFFF  }
0x9e: {  	s18 =	sld [smem:$0x3FDB];
	_ =	sdelay $0x1  }
0x9f: {  	s19 =	simm.s32 $_scs_section_size  }
0xa0: {  	s6 =	simm.s32 $_size__tile_overlayer_lowered;
	s7 =	simm.s32 $_tile_overlayer_lowered  }
0xa1: {  	s22 =	simm.s32 $0x1BFF;
	s21 =	sshll.u32 s7, $0x1;
	s4 =	sadd.s32 s19, s18  }
0xa2: {  	s8 =	simm.s32 $0x0;
	s20 =	sshll.u32 s6, $0x1;
	s6 =	sadd.s32 s21, s4  }
0xa3: {  	[timem:s8], [sflag:s22] =	dma.local [hbm:s6], s20  }
0xa4: {  	_ =	swait.ge [sflag:s22], s20  }
0xa5: {  	s5 =	ssub.s32 $0x0, s20;
	[sflag:s22] =	ssyncset.done $0x0  }
0xa6: {  	[sflag:s22] =	ssyncadd.s32 s5;
	_ =	sdelay $0x1  }
0xa7: {  	s23 =	simm.s32 $0x1B8B  }
0xa8: {  	_ =	swait.ge [sflag:s23], $0x1  }
0xa9: {  	[sflag:s23] =	ssyncset.done $0x0  }
0xaa: {  	s25 =	simm.s32 $0x1B8E;
	s24 =	sld [smem:$0x3FFE];
	[sflag:s23] =	ssyncadd.s32 $0xFFFFFFFF  }
0xab: {  	s26 =	simm.s32 $execute0_lowered;
	[smem:$0x3FD2] =	sst s25  }
0xac: {  	s6 =	sshll.u32 s26, $0x1;
	_ =	strace $0x80000046;
	[dreg:$0x1] =	wrdreg $0xFFFFFFFF  }
0xad: {  	s28 =	simm.s32 $_size_execute0_lowered;
	s4 =	sadd.s32 s4, s6;
	[dreg:$0x0] =	wrdreg $0x0  }
0xae: {  	s6 =	sshll.u32 s28, $0x1;
	[dreg:$0x2] =	wrdreg s4  }
0xaf: {  	[dreg:$0x3] =	wrdreg s6  }
0xb0: {  	[dreg:$0x4] =	wrdreg $0xC0  }
0xb1: {  	_ =	task [dreg:s8], $0x5FFFF  }
0xb2: {  	[dreg:$0x1] =	wrdreg $0xFFFFFFFF  }
0xb3: {  	[dreg:$0x0] =	wrdreg $0x60  }
0xb4: {  	[dreg:$0x2] =	wrdreg s16  }
0xb5: {  	[dreg:$0x3] =	wrdreg s15  }
0xb6: {  	[dreg:$0x4] =	wrdreg s24  }
0xb7: {  	[dreg:$0x5] =	wrdreg $0x9  }
0xb8: {  	_ =	task.clear_ibuf [dreg:s8], $0x6FFFF;
	_ =	strace $0x90000046  }
0xb9: {  	s29 =	simm.s32 $0x9;
	_ =	strace $0x80000048  }
0xba: {  	_ =	swait.ge [sflag:s29], $0x1  }
0xbb: {  	[sflag:s29] =	ssyncadd.s32 $0xFFFFFFFF  }
0xbc: {  	_ =	strace $0x90000048  }
0xbd: {  	_ =	sfence  }
0xbe: {  	s30 =	sld [smem:$0x0];
	_ =	sdelay $0x2  }
0xbf: {  	s31 =	sshll.u32 s1, $0xD;
	s1 =	sshrl.u32 s1, $0x2  }
0xc0: {  	s3 =	sand.u32 $0x4000, s31;
	s1 =	sadd.s32 s1, s30  }
0xc1: {  	s0 =	sor.u32 s3, s0;
	s1 =	sshll.u32 s1, $0x11  }
0xc2: {  	s0 =	sor.u32 s1, s0  }
0xc3: {  	s0 =	sadd.s32 $0x8F2B, s0  }
0xc4: {  	[sflag:s0] =	ssyncadd.remote.s32 $0x1  }
0xc5: {  	_ =	sfence.sel $0xFFFF  }
0xc6: {  	[dreg:$0x0] =	wrdreg $0xFFFFFFFF;
	(pc) =	sbr.abs _section_cstart, $3  }
0xc7: {  	[dreg:$0x1] =	wrdreg $0xFFFFFFFF  }
0xc8: {  	_ =	task.clear_ibuf [dreg:s8], $0x2FFFF;
	_ =	strace $0x9FFFFFFF  }
0xc9: {  	(tm) =	ssettm $0x7FFFFFFF  }
tec
execute0_lowered:
.L_overlay_start_1:
0x0: {  	(tag) =	ssettag $0x1  }
0x1: {  	s1 =	stileid.u32  }
0x2: {  	p0 =	sgt.u32 s1, $0x7  }
.Ltmp0:
0x3: {  	s4 =	rddreg [dreg:$0x0];
	(pc) =	sbr.rel @p0 .LBB2_4-.Ltmp0, $4  }
0x4: {  	s2 =	rddreg [dreg:$0x1]  }
0x5: {  	s12 =	rddreg [dreg:$0x2];
	s3 =	simm.s32 $0x0  }
0x6: {  	[smem:$0x7FF] =	sst s3  }
0x7: {  	s0 =	rddreg [dreg:$0x3];
	_ =	strace $0x80000047  }
0x8: {  	s5 =	srdreg.scid  }
0x9: {  	s30 =	sshll.u32 s1, $0x1;
	s10 =	sand.u32 $0x1, s5  }
0xa: {  	s6 =	sor.u32 s10, s30  }
0xb: {  	s5 =	sadd.s32 s4, s6;
	s4 =	simm.s32 $0x2  }
0xc: {  	[tilespmem:s3], [sflag:$0x2] =	stream.linear.gather [hbm4b:s5+s3], $0x8, $0x38;
	[tilespmem:$0x1880] =	vst v63  }
0xd: {  	_ =	swait.ge [sflag:s4], $0x8  }
0xe: {  	[sflag:s4] =	ssyncset.done $0x0  }
0xf: {  	[sflag:s4] =	ssyncadd.s32 $0xFFFFFFF8  }
0x10: {  	v0 =	vld.msk [tilespmem:$0x0], $0xff;
	_ =	sdelay $0x4  }
0x11: {  	v1 =	vshrl.u32 v0, $0x3  }
0x12: {  	v1 =	vmul.u32 $0x30, v1  }
0x13: {  	v2 =	vlaneseq.u32;
	v3 =	vand.u32 $0x7, v0  }
0x14: {  	v0 =	vand.u32 $0x7, v2;
	v2 =	vshrl.u32 v2, $0x3;
	v3 =	vor.u32 v3, v1  }
0x15: {  	v1 =	vmul.u32 $0x8, v2;
	v2 =	vperm.xlane v3, v0;
	_ =	sdelay $0x1  }
0x16: {  	v2 =	vadd.s32 v1, v2;
	_ =	sdelay $0x2  }
0x17: {  	s7 =	sadd.s32 $0x100, s2;
	s8 =	sadd.s32 $0x200, s2;
	s14 =	ssub.s32 $0x2, s10  }
0x18: {  	vm0 =	vmmov $0xffff;
	s13 =	smul.u32 $0x300, s6;
	s6 =	simm.s32 $0x80;
	s15 =	sshrl.u32 s14, $0x1  }
0x19: {  	[tilespmem:s6], [sflag:$0x1] =	stream.indirect_vreg.gather [hbm4b:s2+s3], $0x80, v2, vm0, $0xb8;
	[tilespmem:$0x1880] =	vst v63  }
0x1a: {  	s9 =	simm.s32 $0x880;
	s11 =	simm.s32 $0x1;
	s31 =	ssub.s32 s14, s15  }
0x1b: {  	[tilespmem:s9], [sflag:$0x1] =	stream.indirect_vreg.gather [hbm4b:s7+s3], $0x80, v2, vm0, $0xb8;
	[tilespmem:$0x1880] =	vst v63  }
0x1c: {  	s10 =	simm.s32 $0x1080;
	s12 =	sadd.s32 s13, s12;
	s13 =	smax.u32 s31, $0x1  }
0x1d: {  	[tilespmem:s10], [sflag:$0x1] =	stream.indirect_vreg.gather [hbm4b:s8+s3], $0x80, v2, vm0, $0xb8;
	[tilespmem:$0x1880] =	vst v63  }
0x1e: {  	p0 =	sne.s32 s13, $0x1;
	_ =	swait.ge [sflag:s11], $0x1800  }
.Ltmp1:
0x1f: {  	[sflag:s11] =	ssyncset.done $0x0;
	(pc) =	sbr.rel @!p0 .LBB2_3-.Ltmp1, $4  }
0x20: {  	s12 =	sadd.s32 $0x800, s12;
	[sflag:s11] =	ssyncadd.s32 $0xFFFFE800  }
0x21: {  	[hbm4b:s12+s3] =	stream.linear.scatter [tilespmem:s6], [sflag:$0x2], $0x1800, $0x38;
	[tilespmem:$0x1880] =	vst v63  }
0x22: {  	_ =	swait.ge [sflag:s4], $0x1800  }
0x23: {  	s13 =	sadd.s32 $0xFFFFFFFF, s13;
	[sflag:s4] =	ssyncset.done $0x0  }
.LBB2_2:
0x24: {  	p0 =	sne.s32 s13, $0x1;
	s13 =	sadd.s32 $0xFFFFFFFF, s13;
	[sflag:s4] =	ssyncadd.s32 $0xFFFFE800  }
0x25: {  	[tilespmem:s3], [sflag:$0x2] =	stream.linear.gather [hbm4b:s5+s3], $0x8, $0x38;
	[tilespmem:$0x1880] =	vst v63  }
0x26: {  	_ =	swait.ge [sflag:s4], $0x8  }
0x27: {  	[sflag:s4] =	ssyncset.done $0x0  }
0x28: {  	[sflag:s4] =	ssyncadd.s32 $0xFFFFFFF8  }
0x29: {  	v2 =	vld.msk [tilespmem:$0x0], $0xff;
	_ =	sdelay $0x4  }
0x2a: {  	v3 =	vshrl.u32 v2, $0x3  }
0x2b: {  	v3 =	vmul.u32 $0x30, v3  }
0x2c: {  	v2 =	vand.u32 $0x7, v2  }
0x2d: {  	v2 =	vor.u32 v2, v3  }
0x2e: {  	v2 =	vperm.xlane v2, v0;
	_ =	sdelay $0x1  }
0x2f: {  	v2 =	vadd.s32 v1, v2;
	_ =	sdelay $0x4  }
0x30: {  	[tilespmem:s6], [sflag:$0x1] =	stream.indirect_vreg.gather [hbm4b:s2+s3], $0x80, v2, vm0, $0xb8;
	[tilespmem:$0x1880] =	vst v63  }
0x31: {  	_ = 	snop  }
0x32: {  	[tilespmem:s9], [sflag:$0x1] =	stream.indirect_vreg.gather [hbm4b:s7+s3], $0x80, v2, vm0, $0xb8;
	[tilespmem:$0x1880] =	vst v63  }
0x33: {  	_ = 	snop  }
0x34: {  	[tilespmem:s10], [sflag:$0x1] =	stream.indirect_vreg.gather [hbm4b:s8+s3], $0x80, v2, vm0, $0xb8;
	[tilespmem:$0x1880] =	vst v63  }
0x35: {  	_ =	swait.ge [sflag:s11], $0x1800  }
.Ltmp2:
0x36: {  	[sflag:s11] =	ssyncset.done $0x0;
	(pc) =	sbr.rel @p0 .LBB2_2-.Ltmp2, $4  }
0x37: {  	[sflag:s11] =	ssyncadd.s32 $0xFFFFE800  }
0x38: {  	[hbm4b:s12+s3] =	stream.linear.scatter [tilespmem:s6], [sflag:$0x2], $0x1800, $0x38;
	[tilespmem:$0x1880] =	vst v63  }
0x39: {  	_ =	swait.ge [sflag:s4], $0x1800  }
0x3a: {  	[sflag:s4] =	ssyncset.done $0x0  }
.LBB2_3:
0x3b: {  	[sflag:s4] =	ssyncadd.s32 $0xFFFFE800  }
.LBB2_4:
0x3c: {  	_ =	sfence.sel $0x180000  }
0x3d: {  	[bflag:$0x0] =	sbarrier.arrive $0xFFFF  }
0x3e: {  	p0 =	sne.s32 s1, $0x0;
	_ =	strace $0x90000047  }
0x3f: {  	s0 =	sadd.s32 @!p0 $0x100000, s0;
	[bflag:$0x2] =	sbarrier.arrive $0xFFFF  }
0x40: {  	[sflag:s0] =	ssyncadd.tile.s32 @!p0 $0x1;
	_ =	shalt  }
.Lfunc_end2:
_tile_overlayer_lowered:
.L_overlay_start_2:
0x41: {  	(tag) =	ssettag $0x2  }
0x42: {  	s0 =	rddreg [dreg:$0x0];
	s2 =	stileid.u32  }
0x43: {  	s1 =	rddreg [dreg:$0x1];
	p0 =	sne.s32 s2, $0x0  }
0x44: {  	s3 =	rddreg [dreg:$0x2];
	[bflag:$0x3] =	sbarrier.arrive $0xFFFF;
	s2 =	simm.s32 @!p0 $0x1C02  }
0x45: {  	[timem:s3], [sflag:s2] =	dma.local @!p0 [hbm:s0], s1  }
0x46: {  	s0 =	simm.s32 @!p0 $0x2  }
0x47: {  	_ =	swait.ge @!p0 [sflag:s0], s1  }
0x48: {  	s1 =	ssub.s32 @!p0 $0x0, s1;
	[sflag:s0] =	ssyncset.done @!p0 $0x0  }
0x49: {  	[sflag:s0] =	ssyncadd.s32 @!p0 s1  }
0x4a: {  	[bflag:$0x3] =	sbarrier.arrive $0xFFFF  }
0x4b: {  	_ =	shalt  }

</sc_bundles>
